<compile_context>
chip_gen: v7x
topology: tpu7x:2x2x1
jax: 0.10.2.dev20260603
libtpu: 0.0.44.dev20260713+nightly
codegen_flags: <defaults>
</compile_context>

<pallas_src>
import jax
import jax.numpy as jnp
from jax import lax
from jax.experimental import pallas as pl
from jax.experimental.pallas import tpu as pltpu
from jax.experimental.pallas import tpu_sc as plsc

_K = 1024
_D = 256
_N = 16384
_R = 256
_G = _N // _R
_BETA = 0.25

_NC = 2
_NS = 16
_NW = _NC * _NS
_RPW = _N // _NW
_CH = 128
_LANES = 16


_RB = 1024
_GB = _N // _RB


def _tc_body(zt_ref, e_ref, oh_ref, idx_ref, perp_ref, loss_ref,
             counts, lacc, en_s):
    i = pl.program_id(0)
    e = e_ref[...]

    @pl.when(i == 0)
    def _en():
        en_s[...] = jnp.sum(e * e, axis=1, keepdims=True).T

    zt = zt_ref[0]
    mm = lax.dot_general(zt, e, (((0,), (1,)), ((), ())),
                         preferred_element_type=jnp.float32)
    zf = zt.T
    zn = jnp.sum(zf * zf, axis=1, keepdims=True)
    d = (zn + en_s[...]) - 2.0 * mm
    vmin = jnp.min(d, axis=1, keepdims=True)
    ksf = lax.broadcasted_iota(jnp.int32, (_RB, _K), 1).astype(jnp.float32)
    idxf = jnp.min(jnp.where(d == vmin, ksf, 65536.0), axis=1, keepdims=True)
    oh = jnp.where(ksf == idxf, 1.0, 0.0)
    oh_ref[...] = oh
    idx_ref[0, 0, :] = idxf[:, 0].astype(jnp.int32)
    cnt = jnp.sum(oh, axis=0, keepdims=True)
    lsum = jnp.sum(vmin).reshape(1, 1)

    @pl.when(i == 0)
    def _init():
        counts[...] = cnt
        lacc[...] = lsum

    @pl.when(i > 0)
    def _acc():
        counts[...] = counts[...] + cnt
        lacc[...] = lacc[...] + lsum

    @pl.when(i == _GB - 1)
    def _fin():
        p = counts[...] * (1.0 / _N)
        ent = jnp.sum(p * jnp.log(p + 1e-10))
        perp_ref[...] = jnp.exp(-ent).reshape(1, 1)
        m = lacc[...] * (1.0 / (_N * _D))
        loss_ref[...] = m + _BETA * m


def _tc_call(z3, emb):
    return pl.pallas_call(
        _tc_body,
        grid=(_GB,),
        in_specs=[
            pl.BlockSpec((1, _D, _RB), lambda i: (i, 0, 0)),
            pl.BlockSpec((_K, _D), lambda i: (0, 0)),
        ],
        out_specs=[
            pl.BlockSpec((_RB, _K), lambda i: (i, 0)),
            pl.BlockSpec((1, 1, _RB), lambda i: (i, 0, 0)),
            pl.BlockSpec((1, 1), lambda i: (0, 0)),
            pl.BlockSpec((1, 1), lambda i: (0, 0)),
        ],
        out_shape=[
            jax.ShapeDtypeStruct((_N, _K), jnp.float32),
            jax.ShapeDtypeStruct((_GB, 1, _RB), jnp.int32),
            jax.ShapeDtypeStruct((1, 1), jnp.float32),
            jax.ShapeDtypeStruct((1, 1), jnp.float32),
        ],
        scratch_shapes=[pltpu.VMEM((1, _K), jnp.float32),
                        pltpu.VMEM((1, 1), jnp.float32),
                        pltpu.VMEM((1, _K), jnp.float32)],
    )(z3, emb)


_NCH = _RPW // _CH


_NBUF = 3


def _sc_body(idx_hbm, emb_hbm, zq_out,
             idx_all, rows0, rows1, rows2,
             gsem0, gsem1, gsem2, wsem0, wsem1, wsem2):
    wid = lax.axis_index("s") * _NC + lax.axis_index("c")
    base = wid * _RPW
    rows_v = (rows0, rows1, rows2)
    gsem = (gsem0, gsem1, gsem2)
    wsem = (wsem0, wsem1, wsem2)
    gathers = [None, None, None]
    writes = [None, None, None]
    pltpu.sync_copy(idx_hbm.at[pl.ds(base, _RPW)], idx_all)
    for ch in range(_NBUF):
        gathers[ch] = pltpu.async_copy(
            emb_hbm.at[idx_all.at[pl.ds(ch * _CH, _CH)]], rows_v[ch], gsem[ch])
    for ch in range(_NCH):
        sl = ch % _NBUF
        b = base + ch * _CH
        gathers[sl].wait()
        writes[sl] = pltpu.async_copy(rows_v[sl], zq_out.at[pl.ds(b, _CH)], wsem[sl])
        nxt = ch + _NBUF
        if nxt < _NCH:
            writes[sl].wait()
            gathers[sl] = pltpu.async_copy(
                emb_hbm.at[idx_all.at[pl.ds(nxt * _CH, _CH)]], rows_v[sl], gsem[sl])
    for sl in range(min(_NBUF, _NCH)):
        if writes[sl] is not None:
            writes[sl].wait()


def _sc_call(idx_flat, emb):
    mesh = plsc.VectorSubcoreMesh(core_axis_name="c", subcore_axis_name="s")
    kern = pl.kernel(
        _sc_body,
        mesh=mesh,
        out_type=jax.ShapeDtypeStruct((_N, _D), jnp.float32),
        scratch_types=[
            pltpu.VMEM((_RPW,), jnp.int32),
            pltpu.VMEM((_CH, _D), jnp.float32),
            pltpu.VMEM((_CH, _D), jnp.float32),
            pltpu.VMEM((_CH, _D), jnp.float32),
            pltpu.SemaphoreType.DMA,
            pltpu.SemaphoreType.DMA,
            pltpu.SemaphoreType.DMA,
            pltpu.SemaphoreType.DMA,
            pltpu.SemaphoreType.DMA,
            pltpu.SemaphoreType.DMA,
        ],
    )
    return kern(idx_flat, emb)


def kernel(z, embedding):
    B, D, H, W = z.shape
    z3 = z.reshape(B, D, H * W)
    oh, idx3, perp2, loss2 = _tc_call(z3, embedding)
    idx_flat = idx3.reshape(_N)
    zq = _sc_call(idx_flat, embedding)
    z_q_out = jnp.transpose(zq.reshape(B, H, W, D), (0, 3, 1, 2))
    return (loss2[0, 0], z_q_out, perp2[0, 0], oh, idx3.reshape(B, H, W))

# --- scband reference (transcript-rebuilt; emitter-appended) ---
"""Pipeline reference for scband-vector-quantizer-12592844112281 (READ-ONLY COPY).

The authoritative reference and input builder live on the scoring server;
editing this copy changes nothing except your own understanding.
"""

import jax, jax.numpy as jnp
import numpy as np

K = 1024
D = 256
BETA = 0.25

def setup_inputs(seed: int = 0) -> dict:
    key = jax.random.key(seed)
    k1, k2 = jax.random.split(key)
    z = jax.random.normal(k1, (16, 256, 32, 32), dtype=jnp.float32)
    embedding = jax.random.uniform(k2, (K, D), dtype=jnp.float32, minval=-1.0 / K, maxval=1.0 / K)
    return {"z": z, "embedding": embedding}

def reference(z, embedding):
    # z: [B, D, H, W] -> [B, H, W, D]
    zp = jnp.transpose(z, (0, 2, 3, 1))
    zf = zp.reshape(-1, D)
    # squared L2 distances to codebook entries
    d = (jnp.sum(zf ** 2, axis=1, keepdims=True)
         + jnp.sum(embedding ** 2, axis=1)
         - 2.0 * jnp.matmul(zf, embedding.T))
    min_encoding_indices = jnp.argmin(d, axis=1)
    # one-hot encodings (scatter of 1s)
    min_encodings = jax.nn.one_hot(min_encoding_indices, K, dtype=z.dtype)
    z_q = jnp.matmul(min_encodings, embedding).reshape(zp.shape)
    loss = (jnp.mean((jax.lax.stop_gradient(z_q) - zp) ** 2)
            + BETA * jnp.mean((z_q - jax.lax.stop_gradient(zp)) ** 2))
    # straight-through estimator
    z_q_st = zp + jax.lax.stop_gradient(z_q - zp)
    e_mean = jnp.mean(min_encodings, axis=0)
    perplexity = jnp.exp(-jnp.sum(e_mean * jnp.log(e_mean + 1e-10)))
    z_q_out = jnp.transpose(z_q_st, (0, 3, 1, 2))
    return (loss, z_q_out, perplexity, min_encodings,
            min_encoding_indices.reshape(zp.shape[:-1]))

if __name__ == "__main__":
    import jax
    _d = setup_inputs()
    print(jax.jit(kernel)(*tuple(_d.values())))

</pallas_src>

<mosaic_0001>
#map = affine_map<(d0, d1) -> (0)>
#map1 = affine_map<(d0, d1) -> (0, 0)>
module attributes {stable_mosaic.version = 14 : i64} {
  func.func @_sc_body(%arg0: i32, %arg1: i32, %arg2: memref<16384xi32, #tpu.memory_space<hbm>>, %arg3: memref<1024x256xf32, #tpu.memory_space<hbm>>, %arg4: memref<16384x256xf32, #tpu.memory_space<hbm>>, %arg5: memref<512xi32, #tpu.memory_space<vmem>>, %arg6: memref<128x256xf32, #tpu.memory_space<vmem>>, %arg7: memref<128x256xf32, #tpu.memory_space<vmem>>, %arg8: memref<128x256xf32, #tpu.memory_space<vmem>>, %arg9: memref<!tpu.dma_semaphore, #tpu.memory_space<semaphore_mem>>, %arg10: memref<!tpu.dma_semaphore, #tpu.memory_space<semaphore_mem>>, %arg11: memref<!tpu.dma_semaphore, #tpu.memory_space<semaphore_mem>>, %arg12: memref<!tpu.dma_semaphore, #tpu.memory_space<semaphore_mem>>, %arg13: memref<!tpu.dma_semaphore, #tpu.memory_space<semaphore_mem>>, %arg14: memref<!tpu.dma_semaphore, #tpu.memory_space<semaphore_mem>>) attributes {dimension_semantics = [#tpu.dimension_semantics<core_parallel>, #tpu.dimension_semantics<subcore_parallel>], iteration_bounds = array<i64: 2, 16>, scalar_prefetch = 0 : i64, scratch_operands = 10 : i64, tpu.core_type = #tpu.core_type<sc_vector_subcore>, window_params = [{transform_indices = #map}, {transform_indices = #map1}, {transform_indices = #map1}]} {
    %mul3A = arith.constant 2 : i32
    %mul3A_0 = arith.muli %arg1, %mul3A : i32
    %add3A = arith.addi %mul3A_0, %arg0 : i32
    %mul3A_1 = arith.constant 512 : i32
    %mul3A_2 = arith.muli %add3A, %mul3A_1 : i32
    "tpu.region"() ({
      %run_scoped3A = tpu.sem_alloc : memref<!tpu.dma_semaphore, #tpu.memory_space<semaphore_mem>>
      %dma_start3A_81 = tpu.memref_slice %arg2[%mul3A_2] : memref<16384xi32, #tpu.memory_space<hbm>> -> memref<512xi32, #tpu.memory_space<hbm>>
      %dma_start3A_82 = tpu.memref_slice %arg2[%mul3A_2] : memref<16384xi32, #tpu.memory_space<hbm>> -> memref<512xi32, #tpu.memory_space<hbm>>
      tpu.enqueue_dma source(%dma_start3A_82 : memref<512xi32, #tpu.memory_space<hbm>>) target(%arg5 : memref<512xi32, #tpu.memory_space<vmem>>) target_semaphore(%run_scoped3A : memref<!tpu.dma_semaphore, #tpu.memory_space<semaphore_mem>>)
      %dma_wait3A_83 = tpu.memref_slice %arg2[%mul3A_2] : memref<16384xi32, #tpu.memory_space<hbm>> -> memref<512xi32, #tpu.memory_space<hbm>>
      %dma_wait3A_84 = tpu.memref_slice %arg2[%mul3A_2] : memref<16384xi32, #tpu.memory_space<hbm>> -> memref<512xi32, #tpu.memory_space<hbm>>
      tpu.wait_dma2 semaphore(%run_scoped3A : memref<!tpu.dma_semaphore, #tpu.memory_space<semaphore_mem>>) src(%dma_wait3A_84 : memref<512xi32, #tpu.memory_space<hbm>>) dst(%arg5 : memref<512xi32, #tpu.memory_space<vmem>>)
      tpu.yield
    }) : () -> ()
    %dma_start3A = arith.constant 0 : i32
    %dma_start3A_3 = tpu.memref_slice %arg5[%dma_start3A] : memref<512xi32, #tpu.memory_space<vmem>> -> memref<128xi32, #tpu.memory_space<vmem>>
    %dma_start3A_4 = arith.constant 0 : i32
    %dma_start3A_5 = arith.constant 0 : i32
    %dma_start3A_6 = tpu.memref_slice %arg3[%dma_start3A_4, %dma_start3A_5] : memref<1024x256xf32, #tpu.memory_space<hbm>> -> memref<1024x256xf32, #tpu.memory_space<hbm>>
    tpu.enqueue_indirect_dma source(%dma_start3A_6 : memref<1024x256xf32, #tpu.memory_space<hbm>>) target(%arg6 : memref<128x256xf32, #tpu.memory_space<vmem>>) offsets(%dma_start3A_3 : memref<128xi32, #tpu.memory_space<vmem>>) semaphore(%arg9 : memref<!tpu.dma_semaphore, #tpu.memory_space<semaphore_mem>>)
    %dma_start3A_7 = arith.constant 128 : i32
    %dma_start3A_8 = tpu.memref_slice %arg5[%dma_start3A_7] : memref<512xi32, #tpu.memory_space<vmem>> -> memref<128xi32, #tpu.memory_space<vmem>>
    %dma_start3A_9 = arith.constant 0 : i32
    %dma_start3A_10 = arith.constant 0 : i32
    %dma_start3A_11 = tpu.memref_slice %arg3[%dma_start3A_9, %dma_start3A_10] : memref<1024x256xf32, #tpu.memory_space<hbm>> -> memref<1024x256xf32, #tpu.memory_space<hbm>>
    tpu.enqueue_indirect_dma source(%dma_start3A_11 : memref<1024x256xf32, #tpu.memory_space<hbm>>) target(%arg7 : memref<128x256xf32, #tpu.memory_space<vmem>>) offsets(%dma_start3A_8 : memref<128xi32, #tpu.memory_space<vmem>>) semaphore(%arg10 : memref<!tpu.dma_semaphore, #tpu.memory_space<semaphore_mem>>)
    %dma_start3A_12 = arith.constant 256 : i32
    %dma_start3A_13 = tpu.memref_slice %arg5[%dma_start3A_12] : memref<512xi32, #tpu.memory_space<vmem>> -> memref<128xi32, #tpu.memory_space<vmem>>
    %dma_start3A_14 = arith.constant 0 : i32
    %dma_start3A_15 = arith.constant 0 : i32
    %dma_start3A_16 = tpu.memref_slice %arg3[%dma_start3A_14, %dma_start3A_15] : memref<1024x256xf32, #tpu.memory_space<hbm>> -> memref<1024x256xf32, #tpu.memory_space<hbm>>
    tpu.enqueue_indirect_dma source(%dma_start3A_16 : memref<1024x256xf32, #tpu.memory_space<hbm>>) target(%arg8 : memref<128x256xf32, #tpu.memory_space<vmem>>) offsets(%dma_start3A_13 : memref<128xi32, #tpu.memory_space<vmem>>) semaphore(%arg11 : memref<!tpu.dma_semaphore, #tpu.memory_space<semaphore_mem>>)
    %add3A_17 = arith.constant 0 : i32
    %add3A_18 = arith.addi %mul3A_2, %add3A_17 : i32
    %dma_wait3A = arith.constant 0 : i32
    %dma_wait3A_19 = tpu.memref_slice %arg5[%dma_wait3A] : memref<512xi32, #tpu.memory_space<vmem>> -> memref<128xi32, #tpu.memory_space<vmem>>
    %dma_wait3A_20 = arith.constant 0 : i32
    %dma_wait3A_21 = arith.constant 0 : i32
    %dma_wait3A_22 = tpu.memref_slice %arg3[%dma_wait3A_20, %dma_wait3A_21] : memref<1024x256xf32, #tpu.memory_space<hbm>> -> memref<1024x256xf32, #tpu.memory_space<hbm>>
    tpu.wait_indirect_dma semaphore(%arg9 : memref<!tpu.dma_semaphore, #tpu.memory_space<semaphore_mem>>) src(%dma_wait3A_22 : memref<1024x256xf32, #tpu.memory_space<hbm>>) dst(%arg6 : memref<128x256xf32, #tpu.memory_space<vmem>>)
    %dma_start3A_23 = arith.constant 0 : i32
    %dma_start3A_24 = tpu.memref_slice %arg4[%add3A_18, %dma_start3A_23] : memref<16384x256xf32, #tpu.memory_space<hbm>> -> memref<128x256xf32, #tpu.memory_space<hbm>>
    %dma_start3A_25 = arith.constant 0 : i32
    %dma_start3A_26 = tpu.memref_slice %arg4[%add3A_18, %dma_start3A_25] : memref<16384x256xf32, #tpu.memory_space<hbm>> -> memref<128x256xf32, #tpu.memory_space<hbm>>
    tpu.enqueue_dma source(%arg6 : memref<128x256xf32, #tpu.memory_space<vmem>>) target(%dma_start3A_26 : memref<128x256xf32, #tpu.memory_space<hbm>>) target_semaphore(%arg12 : memref<!tpu.dma_semaphore, #tpu.memory_space<semaphore_mem>>)
    %dma_wait3A_27 = arith.constant 0 : i32
    %dma_wait3A_28 = tpu.memref_slice %arg4[%add3A_18, %dma_wait3A_27] : memref<16384x256xf32, #tpu.memory_space<hbm>> -> memref<128x256xf32, #tpu.memory_space<hbm>>
    %dma_wait3A_29 = arith.constant 0 : i32
    %dma_wait3A_30 = tpu.memref_slice %arg4[%add3A_18, %dma_wait3A_29] : memref<16384x256xf32, #tpu.memory_space<hbm>> -> memref<128x256xf32, #tpu.memory_space<hbm>>
    tpu.wait_dma2 semaphore(%arg12 : memref<!tpu.dma_semaphore, #tpu.memory_space<semaphore_mem>>) src(%arg6 : memref<128x256xf32, #tpu.memory_space<vmem>>) dst(%dma_wait3A_30 : memref<128x256xf32, #tpu.memory_space<hbm>>)
    %dma_start3A_31 = arith.constant 384 : i32
    %dma_start3A_32 = tpu.memref_slice %arg5[%dma_start3A_31] : memref<512xi32, #tpu.memory_space<vmem>> -> memref<128xi32, #tpu.memory_space<vmem>>
    %dma_start3A_33 = arith.constant 0 : i32
    %dma_start3A_34 = arith.constant 0 : i32
    %dma_start3A_35 = tpu.memref_slice %arg3[%dma_start3A_33, %dma_start3A_34] : memref<1024x256xf32, #tpu.memory_space<hbm>> -> memref<1024x256xf32, #tpu.memory_space<hbm>>
    tpu.enqueue_indirect_dma source(%dma_start3A_35 : memref<1024x256xf32, #tpu.memory_space<hbm>>) target(%arg6 : memref<128x256xf32, #tpu.memory_space<vmem>>) offsets(%dma_start3A_32 : memref<128xi32, #tpu.memory_space<vmem>>) semaphore(%arg9 : memref<!tpu.dma_semaphore, #tpu.memory_space<semaphore_mem>>)
    %add3A_36 = arith.constant 128 : i32
    %add3A_37 = arith.addi %mul3A_2, %add3A_36 : i32
    %dma_wait3A_38 = arith.constant 128 : i32
    %dma_wait3A_39 = tpu.memref_slice %arg5[%dma_wait3A_38] : memref<512xi32, #tpu.memory_space<vmem>> -> memref<128xi32, #tpu.memory_space<vmem>>
    %dma_wait3A_40 = arith.constant 0 : i32
    %dma_wait3A_41 = arith.constant 0 : i32
    %dma_wait3A_42 = tpu.memref_slice %arg3[%dma_wait3A_40, %dma_wait3A_41] : memref<1024x256xf32, #tpu.memory_space<hbm>> -> memref<1024x256xf32, #tpu.memory_space<hbm>>
    tpu.wait_indirect_dma semaphore(%arg10 : memref<!tpu.dma_semaphore, #tpu.memory_space<semaphore_mem>>) src(%dma_wait3A_42 : memref<1024x256xf32, #tpu.memory_space<hbm>>) dst(%arg7 : memref<128x256xf32, #tpu.memory_space<vmem>>)
    %dma_start3A_43 = arith.constant 0 : i32
    %dma_start3A_44 = tpu.memref_slice %arg4[%add3A_37, %dma_start3A_43] : memref<16384x256xf32, #tpu.memory_space<hbm>> -> memref<128x256xf32, #tpu.memory_space<hbm>>
    %dma_start3A_45 = arith.constant 0 : i32
    %dma_start3A_46 = tpu.memref_slice %arg4[%add3A_37, %dma_start3A_45] : memref<16384x256xf32, #tpu.memory_space<hbm>> -> memref<128x256xf32, #tpu.memory_space<hbm>>
    tpu.enqueue_dma source(%arg7 : memref<128x256xf32, #tpu.memory_space<vmem>>) target(%dma_start3A_46 : memref<128x256xf32, #tpu.memory_space<hbm>>) target_semaphore(%arg13 : memref<!tpu.dma_semaphore, #tpu.memory_space<semaphore_mem>>)
    %add3A_47 = arith.constant 256 : i32
    %add3A_48 = arith.addi %mul3A_2, %add3A_47 : i32
    %dma_wait3A_49 = arith.constant 256 : i32
    %dma_wait3A_50 = tpu.memref_slice %arg5[%dma_wait3A_49] : memref<512xi32, #tpu.memory_space<vmem>> -> memref<128xi32, #tpu.memory_space<vmem>>
    %dma_wait3A_51 = arith.constant 0 : i32
    %dma_wait3A_52 = arith.constant 0 : i32
    %dma_wait3A_53 = tpu.memref_slice %arg3[%dma_wait3A_51, %dma_wait3A_52] : memref<1024x256xf32, #tpu.memory_space<hbm>> -> memref<1024x256xf32, #tpu.memory_space<hbm>>
    tpu.wait_indirect_dma semaphore(%arg11 : memref<!tpu.dma_semaphore, #tpu.memory_space<semaphore_mem>>) src(%dma_wait3A_53 : memref<1024x256xf32, #tpu.memory_space<hbm>>) dst(%arg8 : memref<128x256xf32, #tpu.memory_space<vmem>>)
    %dma_start3A_54 = arith.constant 0 : i32
    %dma_start3A_55 = tpu.memref_slice %arg4[%add3A_48, %dma_start3A_54] : memref<16384x256xf32, #tpu.memory_space<hbm>> -> memref<128x256xf32, #tpu.memory_space<hbm>>
    %dma_start3A_56 = arith.constant 0 : i32
    %dma_start3A_57 = tpu.memref_slice %arg4[%add3A_48, %dma_start3A_56] : memref<16384x256xf32, #tpu.memory_space<hbm>> -> memref<128x256xf32, #tpu.memory_space<hbm>>
    tpu.enqueue_dma source(%arg8 : memref<128x256xf32, #tpu.memory_space<vmem>>) target(%dma_start3A_57 : memref<128x256xf32, #tpu.memory_space<hbm>>) target_semaphore(%arg14 : memref<!tpu.dma_semaphore, #tpu.memory_space<semaphore_mem>>)
    %add3A_58 = arith.constant 384 : i32
    %add3A_59 = arith.addi %mul3A_2, %add3A_58 : i32
    %dma_wait3A_60 = arith.constant 384 : i32
    %dma_wait3A_61 = tpu.memref_slice %arg5[%dma_wait3A_60] : memref<512xi32, #tpu.memory_space<vmem>> -> memref<128xi32, #tpu.memory_space<vmem>>
    %dma_wait3A_62 = arith.constant 0 : i32
    %dma_wait3A_63 = arith.constant 0 : i32
    %dma_wait3A_64 = tpu.memref_slice %arg3[%dma_wait3A_62, %dma_wait3A_63] : memref<1024x256xf32, #tpu.memory_space<hbm>> -> memref<1024x256xf32, #tpu.memory_space<hbm>>
    tpu.wait_indirect_dma semaphore(%arg9 : memref<!tpu.dma_semaphore, #tpu.memory_space<semaphore_mem>>) src(%dma_wait3A_64 : memref<1024x256xf32, #tpu.memory_space<hbm>>) dst(%arg6 : memref<128x256xf32, #tpu.memory_space<vmem>>)
    %dma_start3A_65 = arith.constant 0 : i32
    %dma_start3A_66 = tpu.memref_slice %arg4[%add3A_59, %dma_start3A_65] : memref<16384x256xf32, #tpu.memory_space<hbm>> -> memref<128x256xf32, #tpu.memory_space<hbm>>
    %dma_start3A_67 = arith.constant 0 : i32
    %dma_start3A_68 = tpu.memref_slice %arg4[%add3A_59, %dma_start3A_67] : memref<16384x256xf32, #tpu.memory_space<hbm>> -> memref<128x256xf32, #tpu.memory_space<hbm>>
    tpu.enqueue_dma source(%arg6 : memref<128x256xf32, #tpu.memory_space<vmem>>) target(%dma_start3A_68 : memref<128x256xf32, #tpu.memory_space<hbm>>) target_semaphore(%arg12 : memref<!tpu.dma_semaphore, #tpu.memory_space<semaphore_mem>>)
    %dma_wait3A_69 = arith.constant 0 : i32
    %dma_wait3A_70 = tpu.memref_slice %arg4[%add3A_59, %dma_wait3A_69] : memref<16384x256xf32, #tpu.memory_space<hbm>> -> memref<128x256xf32, #tpu.memory_space<hbm>>
    %dma_wait3A_71 = arith.constant 0 : i32
    %dma_wait3A_72 = tpu.memref_slice %arg4[%add3A_59, %dma_wait3A_71] : memref<16384x256xf32, #tpu.memory_space<hbm>> -> memref<128x256xf32, #tpu.memory_space<hbm>>
    tpu.wait_dma2 semaphore(%arg12 : memref<!tpu.dma_semaphore, #tpu.memory_space<semaphore_mem>>) src(%arg6 : memref<128x256xf32, #tpu.memory_space<vmem>>) dst(%dma_wait3A_72 : memref<128x256xf32, #tpu.memory_space<hbm>>)
    %dma_wait3A_73 = arith.constant 0 : i32
    %dma_wait3A_74 = tpu.memref_slice %arg4[%add3A_37, %dma_wait3A_73] : memref<16384x256xf32, #tpu.memory_space<hbm>> -> memref<128x256xf32, #tpu.memory_space<hbm>>
    %dma_wait3A_75 = arith.constant 0 : i32
    %dma_wait3A_76 = tpu.memref_slice %arg4[%add3A_37, %dma_wait3A_75] : memref<16384x256xf32, #tpu.memory_space<hbm>> -> memref<128x256xf32, #tpu.memory_space<hbm>>
    tpu.wait_dma2 semaphore(%arg13 : memref<!tpu.dma_semaphore, #tpu.memory_space<semaphore_mem>>) src(%arg7 : memref<128x256xf32, #tpu.memory_space<vmem>>) dst(%dma_wait3A_76 : memref<128x256xf32, #tpu.memory_space<hbm>>)
    %dma_wait3A_77 = arith.constant 0 : i32
    %dma_wait3A_78 = tpu.memref_slice %arg4[%add3A_48, %dma_wait3A_77] : memref<16384x256xf32, #tpu.memory_space<hbm>> -> memref<128x256xf32, #tpu.memory_space<hbm>>
    %dma_wait3A_79 = arith.constant 0 : i32
    %dma_wait3A_80 = tpu.memref_slice %arg4[%add3A_48, %dma_wait3A_79] : memref<16384x256xf32, #tpu.memory_space<hbm>> -> memref<128x256xf32, #tpu.memory_space<hbm>>
    tpu.wait_dma2 semaphore(%arg14 : memref<!tpu.dma_semaphore, #tpu.memory_space<semaphore_mem>>) src(%arg8 : memref<128x256xf32, #tpu.memory_space<vmem>>) dst(%dma_wait3A_80 : memref<128x256xf32, #tpu.memory_space<hbm>>)
    return
  }
}

module attributes {stable_mosaic.version = 14 : i64} {
  func.func @_tc_body(%arg0: i32, %arg1: memref<1x256x1024xf32, #tpu.memory_space<vmem>>, %arg2: memref<1024x256xf32, #tpu.memory_space<vmem>>, %arg3: memref<1024x1024xf32, #tpu.memory_space<vmem>>, %arg4: memref<1x1x1024xi32, #tpu.memory_space<vmem>>, %arg5: memref<1x1xf32, #tpu.memory_space<vmem>>, %arg6: memref<1x1xf32, #tpu.memory_space<vmem>>, %arg7: memref<1x1024xf32, #tpu.memory_space<vmem>>, %arg8: memref<1x1xf32, #tpu.memory_space<vmem>>, %arg9: memref<1x1024xf32, #tpu.memory_space<vmem>>) attributes {dimension_semantics = [#tpu.dimension_semantics<arbitrary>], iteration_bounds = array<i64: 16>, scalar_prefetch = 0 : i64, scratch_operands = 3 : i64, tpu.core_type = #tpu.core_type<tc>, window_params = [{transform_indices = @transform_0, window_bounds = array<i64: 1, 256, 1024>}, {pipeline_mode = #tpu.pipeline_mode<synchronous>, transform_indices = @transform_1, window_bounds = array<i64: 1024, 256>}, {transform_indices = @transform_2, window_bounds = array<i64: 1024, 1024>}, {transform_indices = @transform_3, window_bounds = array<i64: 1, 1, 1024>}, {pipeline_mode = #tpu.pipeline_mode<synchronous>, transform_indices = @transform_4, window_bounds = array<i64: 1, 1>}, {pipeline_mode = #tpu.pipeline_mode<synchronous>, transform_indices = @transform_5, window_bounds = array<i64: 1, 1>}]} {
    %get3A = arith.constant 0 : index
    %get3A_0 = arith.constant 0 : index
    %get3A_1 = vector.load %arg2[%get3A, %get3A_0] : memref<1024x256xf32, #tpu.memory_space<vmem>>, vector<1024x256xf32>
    %eq3A = arith.constant 0 : i32
    %eq3A_2 = arith.cmpi eq, %arg0, %eq3A : i32
    %convert_element_type3A = arith.extui %eq3A_2 : i1 to i32
    %cond3A = arith.constant 0 : i32
    %cond3A_3 = arith.cmpi ne, %convert_element_type3A, %cond3A : i32
    scf.if %cond3A_3 {
      %mul3A_66 = arith.mulf %get3A_1, %get3A_1 : vector<1024x256xf32>
      %reduce_sum3A_67 = arith.constant dense<0.000000e+00> : vector<1024xf32>
      %reduce_sum3A_68 = vector.multi_reduction <add>, %mul3A_66, %reduce_sum3A_67 [1] : vector<1024x256xf32> to vector<1024xf32>
      %broadcast_in_dim3A_69 = vector.shape_cast %reduce_sum3A_68 : vector<1024xf32> to vector<1024x1xf32>
      %transpose3A_70 = tpu.transpose %broadcast_in_dim3A_69, [1, 0] : vector<1024x1xf32> -> vector<1x1024xf32>
      %swap3A_71 = arith.constant 0 : index
      %swap3A_72 = arith.constant 0 : index
      %swap3A_73 = vector.load %arg9[%swap3A_71, %swap3A_72] : memref<1x1024xf32, #tpu.memory_space<vmem>>, vector<1x1024xf32>
      tpu.vector_store %arg9[%swap3A_71, %swap3A_72], %transpose3A_70 {strides = array<i32>} : memref<1x1024xf32, #tpu.memory_space<vmem>>, vector<1x1024xf32>,
    } else {
    }
    %get3A_4 = arith.constant 0 : index
    %get3A_5 = arith.constant 0 : index
    %get3A_6 = arith.constant 0 : index
    %get3A_7 = vector.load %arg1[%get3A_4, %get3A_5, %get3A_6] : memref<1x256x1024xf32, #tpu.memory_space<vmem>>, vector<1x256x1024xf32>
    %get3A_8 = vector.shape_cast %get3A_7 : vector<1x256x1024xf32> to vector<256x1024xf32>
    %dot_general3A = arith.constant dense<0.000000e+00> : vector<1024x1024xf32>
    %dot_general3A_9 = tpu.matmul %get3A_8, %get3A_1, %dot_general3A {dimension_numbers = #tpu.dot_dimension_numbers<[0], [1], [1], [0], [0, 1, 1, 0], [], []>, transpose_lhs_hint = false} : vector<256x1024xf32>, vector<1024x256xf32>, vector<1024x1024xf32> -> vector<1024x1024xf32>
    %transpose3A = tpu.transpose %get3A_8, [1, 0] : vector<256x1024xf32> -> vector<1024x256xf32>
    %mul3A = arith.mulf %transpose3A, %transpose3A : vector<1024x256xf32>
    %reduce_sum3A = arith.constant dense<0.000000e+00> : vector<1024xf32>
    %reduce_sum3A_10 = vector.multi_reduction <add>, %mul3A, %reduce_sum3A [1] : vector<1024x256xf32> to vector<1024xf32>
    %broadcast_in_dim3A = vector.shape_cast %reduce_sum3A_10 : vector<1024xf32> to vector<1024x1xf32>
    %get3A_11 = arith.constant 0 : index
    %get3A_12 = arith.constant 0 : index
    %get3A_13 = vector.load %arg9[%get3A_11, %get3A_12] : memref<1x1024xf32, #tpu.memory_space<vmem>>, vector<1x1024xf32>
    %add3A = vector.broadcast %broadcast_in_dim3A : vector<1024x1xf32> to vector<1024x1024xf32>
    %add3A_14 = vector.broadcast %get3A_13 : vector<1x1024xf32> to vector<1024x1024xf32>
    %add3A_15 = arith.addf %add3A, %add3A_14 : vector<1024x1024xf32>
    %mul3A_16 = arith.constant 2.000000e+00 : f32
    %mul3A_17 = vector.broadcast %mul3A_16 : f32 to vector<1024x1024xf32>
    %mul3A_18 = arith.mulf %mul3A_17, %dot_general3A_9 : vector<1024x1024xf32>
    %sub3A = arith.subf %add3A_15, %mul3A_18 : vector<1024x1024xf32>
    %reduce_min3A = arith.constant dense<0x7F800000> : vector<1024xf32>
    %reduce_min3A_19 = vector.multi_reduction <minimumf>, %sub3A, %reduce_min3A [1] : vector<1024x1024xf32> to vector<1024xf32>
    %broadcast_in_dim3A_20 = vector.shape_cast %reduce_min3A_19 : vector<1024xf32> to vector<1024x1xf32>
    %iota3A = tpu.iota {dimensions = array<i32: 1>} : vector<1024x1024xi32>
    %convert_element_type3A_21 = arith.sitofp %iota3A : vector<1024x1024xi32> to vector<1024x1024xf32>
    %eq3A_22 = vector.broadcast %broadcast_in_dim3A_20 : vector<1024x1xf32> to vector<1024x1024xf32>
    %eq3A_23 = arith.cmpf oeq, %sub3A, %eq3A_22 : vector<1024x1024xf32>
    %jit3A = arith.constant 6.553600e+04 : f32
    %broadcast_in_dim3A_24 = vector.broadcast %jit3A : f32 to vector<1024x1024xf32>
    %select_n3A = arith.select %eq3A_23, %convert_element_type3A_21, %broadcast_in_dim3A_24 : vector<1024x1024xi1>, vector<1024x1024xf32>
    %reduce_min3A_25 = arith.constant dense<0x7F800000> : vector<1024xf32>
    %reduce_min3A_26 = vector.multi_reduction <minimumf>, %select_n3A, %reduce_min3A_25 [1] : vector<1024x1024xf32> to vector<1024xf32>
    %broadcast_in_dim3A_27 = vector.shape_cast %reduce_min3A_26 : vector<1024xf32> to vector<1024x1xf32>
    %eq3A_28 = vector.broadcast %broadcast_in_dim3A_27 : vector<1024x1xf32> to vector<1024x1024xf32>
    %eq3A_29 = arith.cmpf oeq, %convert_element_type3A_21, %eq3A_28 : vector<1024x1024xf32>
    %jit3A_30 = arith.constant 1.000000e+00 : f32
    %jit3A_31 = arith.constant 0.000000e+00 : f32
    %broadcast_in_dim3A_32 = vector.broadcast %jit3A_30 : f32 to vector<1024x1024xf32>
    %broadcast_in_dim3A_33 = vector.broadcast %jit3A_31 : f32 to vector<1024x1024xf32>
    %select_n3A_34 = arith.select %eq3A_29, %broadcast_in_dim3A_32, %broadcast_in_dim3A_33 : vector<1024x1024xi1>, vector<1024x1024xf32>
    %swap3A = arith.constant 0 : index
    %swap3A_35 = arith.constant 0 : index
    %swap3A_36 = vector.load %arg3[%swap3A, %swap3A_35] : memref<1024x1024xf32, #tpu.memory_space<vmem>>, vector<1024x1024xf32>
    tpu.vector_store %arg3[%swap3A, %swap3A_35], %select_n3A_34 {strides = array<i32>} : memref<1024x1024xf32, #tpu.memory_space<vmem>>, vector<1024x1024xf32>,
    %squeeze3A = vector.shape_cast %broadcast_in_dim3A_27 : vector<1024x1xf32> to vector<1024xf32>
    %convert_element_type3A_37 = arith.fptosi %squeeze3A : vector<1024xf32> to vector<1024xi32>
    %swap3A_38 = arith.constant 0 : index
    %swap3A_39 = arith.constant 0 : index
    %swap3A_40 = arith.constant 0 : index
    %swap3A_41 = vector.load %arg4[%swap3A_38, %swap3A_39, %swap3A_40] : memref<1x1x1024xi32, #tpu.memory_space<vmem>>, vector<1x1x1024xi32>
    %swap3A_42 = vector.shape_cast %swap3A_41 : vector<1x1x1024xi32> to vector<1024xi32>
    %swap3A_43 = vector.shape_cast %convert_element_type3A_37 : vector<1024xi32> to vector<1x1x1024xi32>
    tpu.vector_store %arg4[%swap3A_38, %swap3A_39, %swap3A_40], %swap3A_43 {strides = array<i32>} : memref<1x1x1024xi32, #tpu.memory_space<vmem>>, vector<1x1x1024xi32>,
    %reduce_sum3A_44 = arith.constant dense<0.000000e+00> : vector<1024xf32>
    %reduce_sum3A_45 = vector.multi_reduction <add>, %select_n3A_34, %reduce_sum3A_44 [0] : vector<1024x1024xf32> to vector<1024xf32>
    %broadcast_in_dim3A_46 = vector.shape_cast %reduce_sum3A_45 : vector<1024xf32> to vector<1x1024xf32>
    %reduce_sum3A_47 = vector.shape_cast %broadcast_in_dim3A_20 : vector<1024x1xf32> to vector<1x1024x1xf32>
    %reduce_sum3A_48 = arith.constant dense<0.000000e+00> : vector<1xf32>
    %reduce_sum3A_49 = vector.multi_reduction <add>, %reduce_sum3A_47, %reduce_sum3A_48 [1, 2] : vector<1x1024x1xf32> to vector<1xf32>
    %reduce_sum3A_50 = vector.shape_cast %reduce_sum3A_49 : vector<1xf32> to vector<1x1x1xf32>
    %reduce_sum3A_51 = vector.extract %reduce_sum3A_50[0, 0, 0] : f32 from vector<1x1x1xf32>
    %reshape3A = vector.broadcast %reduce_sum3A_51 : f32 to vector<1x1xf32>
    %eq3A_52 = arith.constant 0 : i32
    %eq3A_53 = arith.cmpi eq, %arg0, %eq3A_52 : i32
    %convert_element_type3A_54 = arith.extui %eq3A_53 : i1 to i32
    %cond3A_55 = arith.constant 0 : i32
    %cond3A_56 = arith.cmpi ne, %convert_element_type3A_54, %cond3A_55 : i32
    scf.if %cond3A_56 {
      %swap3A_66 = arith.constant 0 : index
      %swap3A_67 = arith.constant 0 : index
      %swap3A_68 = vector.load %arg7[%swap3A_66, %swap3A_67] : memref<1x1024xf32, #tpu.memory_space<vmem>>, vector<1x1024xf32>
      tpu.vector_store %arg7[%swap3A_66, %swap3A_67], %broadcast_in_dim3A_46 {strides = array<i32>} : memref<1x1024xf32, #tpu.memory_space<vmem>>, vector<1x1024xf32>,
      %swap3A_69 = arith.constant 0 : index
      %swap3A_70 = arith.constant 0 : index
      %swap3A_71 = vector.load %arg8[%swap3A_69, %swap3A_70] : memref<1x1xf32, #tpu.memory_space<vmem>>, vector<1x1xf32>
      tpu.vector_store %arg8[%swap3A_69, %swap3A_70], %reshape3A {strides = array<i32>} : memref<1x1xf32, #tpu.memory_space<vmem>>, vector<1x1xf32>,
    } else {
    }
    %gt3A = arith.constant 0 : i32
    %gt3A_57 = arith.cmpi sgt, %arg0, %gt3A : i32
    %convert_element_type3A_58 = arith.extui %gt3A_57 : i1 to i32
    %cond3A_59 = arith.constant 0 : i32
    %cond3A_60 = arith.cmpi ne, %convert_element_type3A_58, %cond3A_59 : i32
    scf.if %cond3A_60 {
      %get3A_66 = arith.constant 0 : index
      %get3A_67 = arith.constant 0 : index
      %get3A_68 = vector.load %arg7[%get3A_66, %get3A_67] : memref<1x1024xf32, #tpu.memory_space<vmem>>, vector<1x1024xf32>
      %add3A_69 = arith.addf %get3A_68, %broadcast_in_dim3A_46 : vector<1x1024xf32>
      %swap3A_70 = arith.constant 0 : index
      %swap3A_71 = arith.constant 0 : index
      %swap3A_72 = vector.load %arg7[%swap3A_70, %swap3A_71] : memref<1x1024xf32, #tpu.memory_space<vmem>>, vector<1x1024xf32>
      tpu.vector_store %arg7[%swap3A_70, %swap3A_71], %add3A_69 {strides = array<i32>} : memref<1x1024xf32, #tpu.memory_space<vmem>>, vector<1x1024xf32>,
      %get3A_73 = arith.constant 0 : index
      %get3A_74 = arith.constant 0 : index
      %get3A_75 = vector.load %arg8[%get3A_73, %get3A_74] : memref<1x1xf32, #tpu.memory_space<vmem>>, vector<1x1xf32>
      %add3A_76 = arith.addf %get3A_75, %reshape3A : vector<1x1xf32>
      %swap3A_77 = arith.constant 0 : index
      %swap3A_78 = arith.constant 0 : index
      %swap3A_79 = vector.load %arg8[%swap3A_77, %swap3A_78] : memref<1x1xf32, #tpu.memory_space<vmem>>, vector<1x1xf32>
      tpu.vector_store %arg8[%swap3A_77, %swap3A_78], %add3A_76 {strides = array<i32>} : memref<1x1xf32, #tpu.memory_space<vmem>>, vector<1x1xf32>,
    } else {
    }
    %eq3A_61 = arith.constant 15 : i32
    %eq3A_62 = arith.cmpi eq, %arg0, %eq3A_61 : i32
    %convert_element_type3A_63 = arith.extui %eq3A_62 : i1 to i32
    %cond3A_64 = arith.constant 0 : i32
    %cond3A_65 = arith.cmpi ne, %convert_element_type3A_63, %cond3A_64 : i32
    scf.if %cond3A_65 {
      %get3A_66 = arith.constant 0 : index
      %get3A_67 = arith.constant 0 : index
      %get3A_68 = vector.load %arg7[%get3A_66, %get3A_67] : memref<1x1024xf32, #tpu.memory_space<vmem>>, vector<1x1024xf32>
      %mul3A_69 = arith.constant 6.10351563E-5 : f32
      %mul3A_70 = vector.broadcast %mul3A_69 : f32 to vector<1x1024xf32>
      %mul3A_71 = arith.mulf %get3A_68, %mul3A_70 : vector<1x1024xf32>
      %add3A_72 = arith.constant 1.000000e-10 : f32
      %add3A_73 = vector.broadcast %add3A_72 : f32 to vector<1x1024xf32>
      %add3A_74 = arith.addf %mul3A_71, %add3A_73 : vector<1x1024xf32>
      %log3A = math.log %add3A_74 : vector<1x1024xf32>
      %mul3A_75 = arith.mulf %mul3A_71, %log3A : vector<1x1024xf32>
      %reduce_sum3A_76 = vector.shape_cast %mul3A_75 : vector<1x1024xf32> to vector<1x1x1024xf32>
      %reduce_sum3A_77 = arith.constant dense<0.000000e+00> : vector<1xf32>
      %reduce_sum3A_78 = vector.multi_reduction <add>, %reduce_sum3A_76, %reduce_sum3A_77 [1, 2] : vector<1x1x1024xf32> to vector<1xf32>
      %reduce_sum3A_79 = vector.shape_cast %reduce_sum3A_78 : vector<1xf32> to vector<1x1x1xf32>
      %reduce_sum3A_80 = vector.extract %reduce_sum3A_79[0, 0, 0] : f32 from vector<1x1x1xf32>
      %neg3A = arith.constant 0.000000e+00 : f32
      %neg3A_81 = arith.subf %neg3A, %reduce_sum3A_80 : f32
      %exp3A = math.exp %neg3A_81 : f32
      %reshape3A_82 = vector.broadcast %exp3A : f32 to vector<1x1xf32>
      %swap3A_83 = arith.constant 0 : index
      %swap3A_84 = arith.constant 0 : index
      %swap3A_85 = vector.load %arg5[%swap3A_83, %swap3A_84] : memref<1x1xf32, #tpu.memory_space<vmem>>, vector<1x1xf32>
      tpu.vector_store %arg5[%swap3A_83, %swap3A_84], %reshape3A_82 {strides = array<i32>} : memref<1x1xf32, #tpu.memory_space<vmem>>, vector<1x1xf32>,
      %get3A_86 = arith.constant 0 : index
      %get3A_87 = arith.constant 0 : index
      %get3A_88 = vector.load %arg8[%get3A_86, %get3A_87] : memref<1x1xf32, #tpu.memory_space<vmem>>, vector<1x1xf32>
      %mul3A_89 = arith.constant 2.38418579E-7 : f32
      %mul3A_90 = vector.broadcast %mul3A_89 : f32 to vector<1x1xf32>
      %mul3A_91 = arith.mulf %get3A_88, %mul3A_90 : vector<1x1xf32>
      %mul3A_92 = arith.constant 2.500000e-01 : f32
      %mul3A_93 = vector.broadcast %mul3A_92 : f32 to vector<1x1xf32>
      %mul3A_94 = arith.mulf %mul3A_93, %mul3A_91 : vector<1x1xf32>
      %add3A_95 = arith.addf %mul3A_91, %mul3A_94 : vector<1x1xf32>
      %swap3A_96 = arith.constant 0 : index
      %swap3A_97 = arith.constant 0 : index
      %swap3A_98 = vector.load %arg6[%swap3A_96, %swap3A_97] : memref<1x1xf32, #tpu.memory_space<vmem>>, vector<1x1xf32>
      tpu.vector_store %arg6[%swap3A_96, %swap3A_97], %add3A_95 {strides = array<i32>} : memref<1x1xf32, #tpu.memory_space<vmem>>, vector<1x1xf32>,
    } else {
    }
    return
  }
  func.func @transform_0(%arg0: i32) -> (i32, i32, i32) {
    %c0_i32 = arith.constant 0 : i32
    %c0_i32_0 = arith.constant 0 : i32
    %c0_i32_1 = arith.constant 0 : i32
    return %arg0, %c0_i32, %c0_i32_0 : i32, i32, i32
  }
  func.func @transform_1(%arg0: i32) -> (i32, i32) {
    %c0_i32 = arith.constant 0 : i32
    %c0_i32_0 = arith.constant 0 : i32
    %c0_i32_1 = arith.constant 0 : i32
    return %c0_i32, %c0_i32_0 : i32, i32
  }
  func.func @transform_2(%arg0: i32) -> (i32, i32) {
    %c0_i32 = arith.constant 0 : i32
    %c0_i32_0 = arith.constant 0 : i32
    return %arg0, %c0_i32 : i32, i32
  }
  func.func @transform_3(%arg0: i32) -> (i32, i32, i32) {
    %c0_i32 = arith.constant 0 : i32
    %c0_i32_0 = arith.constant 0 : i32
    %c0_i32_1 = arith.constant 0 : i32
    return %arg0, %c0_i32, %c0_i32_0 : i32, i32, i32
  }
  func.func @transform_4(%arg0: i32) -> (i32, i32) {
    %c0_i32 = arith.constant 0 : i32
    %c0_i32_0 = arith.constant 0 : i32
    %c0_i32_1 = arith.constant 0 : i32
    return %c0_i32, %c0_i32_0 : i32, i32
  }
  func.func @transform_5(%arg0: i32) -> (i32, i32) {
    %c0_i32 = arith.constant 0 : i32
    %c0_i32_0 = arith.constant 0 : i32
    %c0_i32_1 = arith.constant 0 : i32
    return %c0_i32, %c0_i32_0 : i32, i32
  }
}

</mosaic_0001>

<sc_bundles>
// kernel: kernel.4.cloned.1.call-start
scs
__scs_entry_jumppad:
0x0: {  	(pc) =	sbr.rel $0x88, $3  }
0x1: {  	(tag) =	ssettag $0x0;
	lr =	simm.s32 $0x1  }
0x2: {  	[smem:$0x3F9F] =	sst lr;
	_ =	strace $0xD0000000  }
0x3: {  	_ = 	snop  }
0x4: {  	_ = 	snop  }
0x5: {  	_ = 	snop  }
0x6: {  	_ = 	snop  }
0x7: {  	_ = 	snop  }
__scs_overlays_trampoline_lowered:
0x8: {  	[smem:$0x3FAE] =	sst s0  }
0x9: {  	[smem:$0x3FAF] =	sst s1  }
0xa: {  	[smem:$0x3FB0] =	sst s2  }
0xb: {  	[smem:$0x3FB1] =	sst s3  }
0xc: {  	[smem:$0x3FB2] =	sst s4  }
0xd: {  	[smem:$0x3FB3] =	sst s5  }
0xe: {  	[smem:$0x3FB4] =	sst s6  }
0xf: {  	[smem:$0x3FB5] =	sst s7  }
0x10: {  	[smem:$0x3FB6] =	sst s8  }
0x11: {  	[smem:$0x3FB7] =	sst s9;
	s0 =	simm.s32 @!p0 $0x0  }
0x12: {  	s1 =	sld [smem:$0x3F9D];
	s0 =	simm.s32 @p0 $0x1  }
0x13: {  	[smem:$0x3FB8] =	sst s0;
	s0 =	simm.s32 @!p1 $0x0  }
0x14: {  	s2 =	sld [smem:$0x3F9C];
	s0 =	simm.s32 @p1 $0x1  }
0x15: {  	[smem:$0x3FB9] =	sst s0;
	s0 =	simm.s32 @!p2 $0x0  }
0x16: {  	s3 =	sld [smem:$0x3FDB];
	s0 =	simm.s32 @p2 $0x1  }
0x17: {  	s4 =	simm.s32 $0x1BF5;
	[smem:$0x3FBB] =	sst s0  }
0x18: {  	s0 =	sld [smem:$0x3F9E];
	_ =	swait.ge [sflag:s4], $0x0  }
0x19: {  	s7 =	sld [smem:$0x3F9F]  }
0x1a: {  	s8 =	sadd.s32 $0xFFFFE003, lr  }
0x1b: {  	s9 =	sadd.s32 $0xFFFFFEF7, lr;
	s5 =	simm.s32 $0xFFFFFFFF;
	p2 =	slt.u32 s8, $0xFFFFF086  }
0x1c: {  	p1 =	slt.u32 s9, $0xF7A;
	s5 =	simm.s32 @!p2 $0x0  }
0x1d: {  	s5 =	simm.s32 @p1 $0x1;
	p0 =	seq.s32 s7, s2  }
0x1e: {  	s7 =	smul.u32 @!p0 $0xF7A, s2;
	p2 =	seq.s32 @!p0 s5, $0x0  }
0x1f: {  	s9 =	smul.u32 $0xF7A, s1;
	s8 =	simm.s32 @!p0 $0x1BF5;
	p2 =	por !p2, p0  }
0x20: {  	[sflag:s8] =	ssyncset.s32 @!p0 $0xFFFFF086;
	s6 =	sadd.s32 @!p0 s3, s7;
	s7 =	simm.s32 @!p0 $0x108  }
0x21: {  	s3 =	sadd.s32 s3, s9;
	s6 =	sadd.s32 @!p0 $0x88, s6;
	s7 =	simm.s32 @p2 $0x1082  }
0x22: {  	[simem:s7], [sflag:s8] =	dma.local @!p0 [hbm:s6], $0xF7A  }
0x23: {  	s9 =	sor.u32 $0xD0000000, s2;
	s6 =	simm.s32 $0x108;
	_ =	swait.ge @!p0 [sflag:s8], $0x0  }
0x24: {  	s3 =	sadd.s32 $0x88, s3;
	s6 =	simm.s32 @!p1 $0x1082;
	[sflag:s4] =	ssyncset.s32 $0xFFFFF086  }
0x25: {  	[simem:s6], [sflag:s4] =	dma.local [hbm:s3], $0xF7A  }
0x26: {  	[smem:$0x3F9F] =	sst s1;
	(tag) =	ssettag s2;
	_ =	strace s9  }
0x27: {  	s1 =	sld [smem:$0x3FAF]  }
0x28: {  	s2 =	sld [smem:$0x3FB0]  }
0x29: {  	s4 =	sld [smem:$0x3FB2]  }
0x2a: {  	p0 =	seq.s32 s5, $0x0;
	s5 =	sld [smem:$0x3FB3]  }
0x2b: {  	s6 =	sld [smem:$0x3FB4]  }
0x2c: {  	s7 =	sld [smem:$0x3FB5]  }
0x2d: {  	s3 =	simm.s32 $0x108;
	s8 =	sld [smem:$0x3FB6]  }
0x2e: {  	s3 =	simm.s32 @!p0 $0x1082;
	s9 =	sld [smem:$0x3FB7]  }
0x2f: {  	lr =	sadd.s32 s0, s3;
	s0 =	sld [smem:$0x3FAE]  }
0x30: {  	s3 =	sld [smem:$0x3FB1]  }
0x31: {  	[smem:$0x3FBA] =	sst s10  }
0x32: {  	s10 =	sld [smem:$0x3FB8];
	_ =	sdelay $0x3  }
0x33: {  	p0 =	seq.s32 s10, $0x1;
	s10 =	sld [smem:$0x3FBA];
	_ =	sdelay $0x3  }
0x34: {  	[smem:$0x3FBA] =	sst s10  }
0x35: {  	s10 =	sld [smem:$0x3FB9];
	_ =	sdelay $0x3  }
0x36: {  	p1 =	seq.s32 s10, $0x1;
	s10 =	sld [smem:$0x3FBA];
	_ =	sdelay $0x3  }
0x37: {  	[smem:$0x3FBA] =	sst s10  }
0x38: {  	s10 =	sld [smem:$0x3FBB]  }
0x39: {  	_ = 	snop;
	(pc) =	sbr.ind lr, $3  }
0x3a: {  	_ = 	snop  }
0x3b: {  	_ = 	snop  }
0x3c: {  	p2 =	seq.s32 s10, $0x1;
	s10 =	sld [smem:$0x3FBA]  }
0x3d: {  	_ =	shalt  }
0x3e: {  	_ =	shalt  }
0x3f: {  	_ =	shalt  }
0x40: {  	_ =	shalt  }
0x41: {  	_ =	shalt  }
0x42: {  	_ =	shalt  }
0x43: {  	_ =	shalt  }
0x44: {  	_ =	shalt  }
0x45: {  	_ =	shalt  }
0x46: {  	_ =	shalt  }
0x47: {  	_ =	shalt  }
0x48: {  	_ =	shalt  }
0x49: {  	_ =	shalt  }
0x4a: {  	_ =	shalt  }
0x4b: {  	_ =	shalt  }
0x4c: {  	_ =	shalt  }
0x4d: {  	_ =	shalt  }
0x4e: {  	_ =	shalt  }
0x4f: {  	_ =	shalt  }
0x50: {  	_ =	shalt  }
0x51: {  	_ =	shalt  }
0x52: {  	_ =	shalt  }
0x53: {  	_ =	shalt  }
0x54: {  	_ =	shalt  }
0x55: {  	_ =	shalt  }
0x56: {  	_ =	shalt  }
0x57: {  	_ =	shalt  }
0x58: {  	_ =	shalt  }
0x59: {  	_ =	shalt  }
0x5a: {  	_ =	shalt  }
0x5b: {  	_ =	shalt  }
0x5c: {  	_ =	shalt  }
0x5d: {  	_ =	shalt  }
0x5e: {  	_ =	shalt  }
0x5f: {  	_ =	shalt  }
0x60: {  	_ =	shalt  }
0x61: {  	_ =	shalt  }
0x62: {  	_ =	shalt  }
0x63: {  	_ =	shalt  }
0x64: {  	_ =	shalt  }
0x65: {  	_ =	shalt  }
0x66: {  	_ =	shalt  }
0x67: {  	_ =	shalt  }
0x68: {  	_ =	shalt  }
0x69: {  	_ =	shalt  }
0x6a: {  	_ =	shalt  }
0x6b: {  	_ =	shalt  }
0x6c: {  	_ =	shalt  }
0x6d: {  	_ =	shalt  }
0x6e: {  	_ =	shalt  }
0x6f: {  	_ =	shalt  }
0x70: {  	_ =	shalt  }
0x71: {  	_ =	shalt  }
0x72: {  	_ =	shalt  }
0x73: {  	_ =	shalt  }
0x74: {  	_ =	shalt  }
0x75: {  	_ =	shalt  }
0x76: {  	_ =	shalt  }
0x77: {  	_ =	shalt  }
0x78: {  	_ =	shalt  }
0x79: {  	_ =	shalt  }
0x7a: {  	_ =	shalt  }
0x7b: {  	_ =	shalt  }
0x7c: {  	_ =	shalt  }
0x7d: {  	_ =	shalt  }
0x7e: {  	_ =	shalt  }
0x7f: {  	_ =	shalt  }
0x80: {  	_ =	shalt  }
0x81: {  	_ =	shalt  }
0x82: {  	_ =	shalt  }
0x83: {  	_ =	shalt  }
0x84: {  	_ =	shalt  }
0x85: {  	_ =	shalt  }
0x86: {  	_ =	shalt  }
0x87: {  	_ =	shalt  }
.Lfunc_end0:
.L_simem_size_0:
called_computation_lowered:
.L_overlay_start_0:
0x88: {  	s2 =	sld [smem:$0x3FD9]  }
0x89: {  	s3 =	sld [smem:$0x3FFE];
	_ =	sdelay $0x1  }
0x8a: {  	s1 =	srdreg.scid  }
0x8b: {  	s0 =	sand.u32 $0x1, s1  }
0x8c: {  	s14 =	sshll.u32 s0, $0xA;
	s2 =	sadd.s32 s3, s2  }
0x8d: {  	s2 =	sadd.s32 s2, s14  }
0x8e: {  	[smem:$0x3FC6] =	sst s2  }
0x8f: {  	_ = 	snop  }
0x90: {  	s2 =	sld [smem:$0x3FD0];
	_ =	sdelay $0x2  }
0x91: {  	s4 =	simm.s32 $0xA;
	s5 =	simm.s32 $0x10;
	s15 =	sld [smem:$0x3FC8]  }
0x92: {  	[smem:s5], [sflag:s4] =	dma.local [hbm:s2], $0x1  }
0x93: {  	_ =	swait.eq [sflag:s4], $0x1  }
0x94: {  	[sflag:s4] =	ssyncset.done $0x0  }
0x95: {  	[sflag:s4] =	ssyncadd.s32 $0xFFFFFFFF  }
0x96: {  	s16 =	sld [smem:$0x11];
	(tm) =	ssettm $0x1  }
0x97: {  	s17 =	sld [smem:$0x3FFB];
	_ =	sdelay $0x3  }
0x98: {  	_ =	strace s17  }
0x99: {  	s4 =	sld [smem:$0x3FFC];
	_ =	sdelay $0x3  }
0x9a: {  	_ =	strace s4  }
0x9b: {  	s4 =	sld [smem:$0x3FFD];
	_ =	sdelay $0x3  }
0x9c: {  	_ =	strace s4  }
0x9d: {  	_ =	strace $0x8FFFFFFF  }
0x9e: {  	s18 =	sld [smem:$0x3FDB];
	_ =	sdelay $0x1  }
0x9f: {  	s19 =	simm.s32 $_scs_section_size  }
0xa0: {  	s6 =	simm.s32 $_size__tile_overlayer_lowered;
	s7 =	simm.s32 $_tile_overlayer_lowered  }
0xa1: {  	s22 =	simm.s32 $0x1BFF;
	s21 =	sshll.u32 s7, $0x1;
	s4 =	sadd.s32 s19, s18  }
0xa2: {  	s8 =	simm.s32 $0x0;
	s20 =	sshll.u32 s6, $0x1;
	s6 =	sadd.s32 s21, s4  }
0xa3: {  	[timem:s8], [sflag:s22] =	dma.local [hbm:s6], s20  }
0xa4: {  	_ =	swait.ge [sflag:s22], s20  }
0xa5: {  	s5 =	ssub.s32 $0x0, s20;
	[sflag:s22] =	ssyncset.done $0x0  }
0xa6: {  	[sflag:s22] =	ssyncadd.s32 s5;
	_ =	sdelay $0x1  }
0xa7: {  	s23 =	simm.s32 $0x1B8B  }
0xa8: {  	_ =	swait.ge [sflag:s23], $0x1  }
0xa9: {  	[sflag:s23] =	ssyncset.done $0x0  }
0xaa: {  	s25 =	simm.s32 $0x1B8E;
	s24 =	sld [smem:$0x3FFE];
	[sflag:s23] =	ssyncadd.s32 $0xFFFFFFFF  }
0xab: {  	s26 =	simm.s32 $execute0_lowered;
	[smem:$0x3FD2] =	sst s25  }
0xac: {  	s6 =	sshll.u32 s26, $0x1;
	_ =	strace $0x80000046;
	[dreg:$0x1] =	wrdreg $0xFFFFFFFF  }
0xad: {  	s28 =	simm.s32 $_size_execute0_lowered;
	s4 =	sadd.s32 s4, s6;
	[dreg:$0x0] =	wrdreg $0x0  }
0xae: {  	s6 =	sshll.u32 s28, $0x1;
	[dreg:$0x2] =	wrdreg s4  }
0xaf: {  	[dreg:$0x3] =	wrdreg s6  }
0xb0: {  	[dreg:$0x4] =	wrdreg $0xC0  }
0xb1: {  	_ =	task [dreg:s8], $0x5FFFF  }
0xb2: {  	[dreg:$0x1] =	wrdreg $0xFFFFFFFF  }
0xb3: {  	[dreg:$0x0] =	wrdreg $0x60  }
0xb4: {  	[dreg:$0x2] =	wrdreg s24  }
0xb5: {  	[dreg:$0x3] =	wrdreg s15  }
0xb6: {  	[dreg:$0x4] =	wrdreg s16  }
0xb7: {  	[dreg:$0x5] =	wrdreg $0x9  }
0xb8: {  	_ =	task.clear_ibuf [dreg:s8], $0x6FFFF;
	_ =	strace $0x90000046  }
0xb9: {  	s29 =	simm.s32 $0x9;
	_ =	strace $0x80000048  }
0xba: {  	_ =	swait.ge [sflag:s29], $0x1  }
0xbb: {  	[sflag:s29] =	ssyncadd.s32 $0xFFFFFFFF  }
0xbc: {  	_ =	strace $0x90000048  }
0xbd: {  	_ =	sfence  }
0xbe: {  	s30 =	sld [smem:$0x0];
	_ =	sdelay $0x2  }
0xbf: {  	s31 =	sshll.u32 s1, $0xD;
	s1 =	sshrl.u32 s1, $0x2  }
0xc0: {  	s3 =	sand.u32 $0x4000, s31;
	s1 =	sadd.s32 s1, s30  }
0xc1: {  	s0 =	sor.u32 s3, s0;
	s1 =	sshll.u32 s1, $0x11  }
0xc2: {  	s0 =	sor.u32 s1, s0  }
0xc3: {  	s0 =	sadd.s32 $0x8F2B, s0  }
0xc4: {  	[sflag:s0] =	ssyncadd.remote.s32 $0x1  }
0xc5: {  	_ =	sfence.sel $0xFFFF  }
0xc6: {  	[dreg:$0x0] =	wrdreg $0xFFFFFFFF;
	(pc) =	sbr.abs _section_cstart, $3  }
0xc7: {  	[dreg:$0x1] =	wrdreg $0xFFFFFFFF  }
0xc8: {  	_ =	task.clear_ibuf [dreg:s8], $0x2FFFF;
	_ =	strace $0x9FFFFFFF  }
0xc9: {  	(tm) =	ssettm $0x7FFFFFFF  }
tec
execute0_lowered:
.L_overlay_start_1:
0x0: {  	(tag) =	ssettag $0x1  }
0x1: {  	s1 =	srdreg.scid  }
0x2: {  	s4 =	rddreg [dreg:$0x0];
	s0 =	stileid.u32;
	s1 =	sand.u32 $0x1, s1  }
0x3: {  	s2 =	rddreg [dreg:$0x1];
	s3 =	sshll.u32 s0, $0xA;
	s5 =	sshll.u32 s1, $0x9  }
0x4: {  	s6 =	rddreg [dreg:$0x2];
	s5 =	sor.u32 s5, s3;
	s3 =	simm.s32 $0x0  }
0x5: {  	s18 =	simm.s32 $0x8A00;
	[smem:$0x7FF] =	sst s3  }
0x6: {  	s19 =	simm.s32 $0x9200;
	_ =	strace $0x80000047;
	[dreg:$0x8] =	wrdreg s18  }
0x7: {  	s20 =	simm.s32 $0x9A00;
	s21 =	simm.s32 $0xA200;
	[dreg:$0x9] =	wrdreg s19  }
0x8: {  	s22 =	simm.s32 $0xAA00;
	s23 =	simm.s32 $0xB200;
	[dreg:$0xa] =	wrdreg s20  }
0x9: {  	s24 =	simm.s32 $0xBA00;
	s25 =	simm.s32 $0xC200;
	[dreg:$0xb] =	wrdreg s21  }
0xa: {  	s8 =	simm.s32 $0xDA00;
	s9 =	simm.s32 $0xE200;
	[dreg:$0xc] =	wrdreg s22  }
0xb: {  	s10 =	simm.s32 $0xEA00;
	s11 =	simm.s32 $0xF200;
	[dreg:$0xd] =	wrdreg s23  }
0xc: {  	s12 =	simm.s32 $0xFA00;
	s13 =	simm.s32 $0x10A00;
	[dreg:$0xe] =	wrdreg s24  }
0xd: {  	s14 =	simm.s32 $0x11200;
	s0 =	simm.s32 $0xCA00;
	[dreg:$0xf] =	wrdreg s25  }
0xe: {  	s15 =	simm.s32 $0x11A00;
	s28 =	simm.s32 $0x4;
	[dreg:$0x10] =	wrdreg s0  }
0xf: {  	s29 =	simm.s32 $0x2;
	s30 =	simm.s32 $0x3;
	[dreg:$0x12] =	wrdreg s8  }
0x10: {  	s31 =	simm.s32 $0x5;
	s1 =	ssub.s32 $0x2, s1;
	[dreg:$0x13] =	wrdreg s9  }
0x11: {  	s26 =	sshrl.u32 s1, $0x1;
	s7 =	sshrl.u32 s5, $0x3;
	[dreg:$0x14] =	wrdreg s10  }
0x12: {  	s5 =	sshll.u32 s5, $0x5;
	s1 =	ssub.s32 s1, s26;
	[dreg:$0x15] =	wrdreg s11  }
0x13: {  	s26 =	simm.s32 $0x17200;
	s4 =	sadd.s32 s7, s4;
	[dreg:$0x16] =	wrdreg s12  }
0x14: {  	s8 =	simm.s32 $0xA00;
	s9 =	simm.s32 $0x1200;
	[dreg:$0x17] =	wrdreg s13  }
0x15: {  	s10 =	simm.s32 $0x1A00;
	s11 =	simm.s32 $0x2200;
	[dreg:$0x18] =	wrdreg s14  }
0x16: {  	s12 =	simm.s32 $0x2A00;
	s13 =	simm.s32 $0x3200;
	[dreg:$0x19] =	wrdreg s15  }
0x17: {  	s14 =	simm.s32 $0x3A00;
	s18 =	simm.s32 $0x13200;
	[smem:$0x7FD] =	sst s26  }
0x18: {  	s15 =	simm.s32 $0x4200;
	s19 =	simm.s32 $0x13A00;
	[dreg:$0x1c] =	wrdreg s18  }
0x19: {  	s20 =	simm.s32 $0x14200;
	s21 =	simm.s32 $0x14A00;
	[dreg:$0x1d] =	wrdreg s19  }
0x1a: {  	s22 =	simm.s32 $0x15200;
	s23 =	simm.s32 $0x15A00;
	[dreg:$0x1e] =	wrdreg s20  }
0x1b: {  	s24 =	simm.s32 $0x16200;
	s25 =	simm.s32 $0x16A00;
	[dreg:$0x1f] =	wrdreg s21  }
0x1c: {  	s26 =	simm.s32 $0x1;
	s7 =	sadd.s32 $0x800, s4;
	[smem:$0x7F9] =	sst s22  }
0x1d: {  	s4 =	sadd.s32 s6, s5;
	s6 =	simm.s32 $0x7;
	[smem:$0x7FA] =	sst s23  }
0x1e: {  	s18 =	simm.s32 $0x5A00;
	s19 =	simm.s32 $0x6200;
	[smem:$0x7FB] =	sst s24  }
0x1f: {  	s20 =	simm.s32 $0x6A00;
	s21 =	simm.s32 $0x7200;
	[smem:$0x7FC] =	sst s25  }
0x20: {  	s22 =	simm.s32 $0x7A00;
	[dreg:$0x4] =	wrdreg s7;
	s5 =	sadd.s32 $0x1000, s4  }
0x21: {  	s23 =	simm.s32 $0x8200;
	s16 =	sadd.s32 $0x2000, s4;
	[dreg:$0x5] =	wrdreg s5  }
0x22: {  	s24 =	simm.s32 $0x10200;
	s17 =	sadd.s32 $0x3000, s4;
	[dreg:$0x6] =	wrdreg s16  }
0x23: {  	s7 =	simm.s32 $0xD200;
	[dreg:$0x7] =	wrdreg s17;
	s5 =	smax.u32 s1, $0x1  }
0x24: {  	v2 =	vlaneseq.u32;
	[dreg:$0x11] =	wrdreg s7;
	s7 =	simm.s32 $0x200;
	s16 =	simm.s32 $0x12200  }
0x25: {  	vm0 =	vmmov $0xffff;
	v1 =	vshrl.u32 v2, $0x3;
	s17 =	simm.s32 $0x12A00;
	s1 =	simm.s32 $0x6;
	[dreg:$0x1a] =	wrdreg s16  }
0x26: {  	v0 =	vand.u32 $0x7, v2;
	v2 =	vor.u32 $0x8, v2;
	v1 =	vmul.u32 $0x8, v1;
	[dreg:$0x1b] =	wrdreg s17;
	s16 =	simm.s32 $0x4A00;
	s17 =	simm.s32 $0x5200  }
.LBB2_1:
0x27: {  	s0 =	rddreg [dreg:$0x4]  }
0x28: {  	[tilespmem:s3], [sflag:$0x7] =	stream.linear.gather [hbm4b:s0+s3], $0x200, $0x38;
	[tilespmem:$0x18200] =	vst v63  }
0x29: {  	_ =	swait.ge [sflag:s6], $0x200  }
0x2a: {  	[sflag:s6] =	ssyncset.done $0x0  }
0x2b: {  	[sflag:s6] =	ssyncadd.s32 $0xFFFFFE00  }
0x2c: {  	v3 =	vld [tilespmem:$0x0];
	_ =	sdelay $0x4  }
0x2d: {  	v4 =	vshll.u32 v3, $0x1  }
0x2e: {  	v3 =	vand.u32 $0x7, v3;
	v4 =	vand.u32 $0xFFFFFFF0, v4  }
0x2f: {  	v3 =	vor.u32 v3, v4  }
0x30: {  	v4 =	vperm.xlane v3, v0;
	_ =	sdelay $0x1  }
0x31: {  	v3 =	vperm.xlane v3, v2;
	v4 =	vadd.s32 v1, v4;
	_ =	sdelay $0x1  }
0x32: {  	v3 =	vadd.s32 v1, v3;
	_ =	sdelay $0x2  }
0x33: {  	[tilespmem:s7], [sflag:$0x1] =	stream.indirect_vreg.gather [hbm4b:s2+s3], $0x80, v4, vm0, $0xb8;
	[tilespmem:$0x18200] =	vst v63  }
0x34: {  	_ = 	snop  }
0x35: {  	[tilespmem:s8], [sflag:$0x1] =	stream.indirect_vreg.gather [hbm4b:s2+s3], $0x80, v3, vm0, $0xb8;
	[tilespmem:$0x18200] =	vst v63  }
0x36: {  	v3 =	vld [tilespmem:$0x10];
	_ =	sdelay $0x4  }
0x37: {  	v33 =	vshll.u32 v3, $0x1  }
0x38: {  	v3 =	vand.u32 $0x7, v3;
	v4 =	vand.u32 $0xFFFFFFF0, v33  }
0x39: {  	v3 =	vor.u32 v3, v4  }
0x3a: {  	v4 =	vperm.xlane v3, v0;
	_ =	sdelay $0x1  }
0x3b: {  	v3 =	vperm.xlane v3, v2;
	v4 =	vadd.s32 v1, v4;
	_ =	sdelay $0x1  }
0x3c: {  	v3 =	vadd.s32 v1, v3;
	_ =	sdelay $0x2  }
0x3d: {  	[tilespmem:s9], [sflag:$0x1] =	stream.indirect_vreg.gather [hbm4b:s2+s3], $0x80, v4, vm0, $0xb8;
	[tilespmem:$0x18200] =	vst v63  }
0x3e: {  	_ = 	snop  }
0x3f: {  	[tilespmem:s10], [sflag:$0x1] =	stream.indirect_vreg.gather [hbm4b:s2+s3], $0x80, v3, vm0, $0xb8;
	[tilespmem:$0x18200] =	vst v63  }
0x40: {  	v3 =	vld [tilespmem:$0x20];
	_ =	sdelay $0x4  }
0x41: {  	v34 =	vshll.u32 v3, $0x1  }
0x42: {  	v3 =	vand.u32 $0x7, v3;
	v4 =	vand.u32 $0xFFFFFFF0, v34  }
0x43: {  	v3 =	vor.u32 v3, v4  }
0x44: {  	v4 =	vperm.xlane v3, v0;
	_ =	sdelay $0x1  }
0x45: {  	v3 =	vperm.xlane v3, v2;
	v4 =	vadd.s32 v1, v4;
	_ =	sdelay $0x1  }
0x46: {  	v3 =	vadd.s32 v1, v3;
	_ =	sdelay $0x2  }
0x47: {  	[tilespmem:s11], [sflag:$0x1] =	stream.indirect_vreg.gather [hbm4b:s2+s3], $0x80, v4, vm0, $0xb8;
	[tilespmem:$0x18200] =	vst v63  }
0x48: {  	_ = 	snop  }
0x49: {  	[tilespmem:s12], [sflag:$0x1] =	stream.indirect_vreg.gather [hbm4b:s2+s3], $0x80, v3, vm0, $0xb8;
	[tilespmem:$0x18200] =	vst v63  }
0x4a: {  	v3 =	vld [tilespmem:$0x30];
	_ =	sdelay $0x4  }
0x4b: {  	v35 =	vshll.u32 v3, $0x1  }
0x4c: {  	v3 =	vand.u32 $0x7, v3;
	v4 =	vand.u32 $0xFFFFFFF0, v35  }
0x4d: {  	v3 =	vor.u32 v3, v4  }
0x4e: {  	v4 =	vperm.xlane v3, v0;
	_ =	sdelay $0x1  }
0x4f: {  	v3 =	vperm.xlane v3, v2;
	v4 =	vadd.s32 v1, v4;
	_ =	sdelay $0x1  }
0x50: {  	v3 =	vadd.s32 v1, v3;
	_ =	sdelay $0x2  }
0x51: {  	[tilespmem:s13], [sflag:$0x1] =	stream.indirect_vreg.gather [hbm4b:s2+s3], $0x80, v4, vm0, $0xb8;
	[tilespmem:$0x18200] =	vst v63  }
0x52: {  	_ = 	snop  }
0x53: {  	[tilespmem:s14], [sflag:$0x1] =	stream.indirect_vreg.gather [hbm4b:s2+s3], $0x80, v3, vm0, $0xb8;
	[tilespmem:$0x18200] =	vst v63  }
0x54: {  	v3 =	vld [tilespmem:$0x40];
	_ =	sdelay $0x4  }
0x55: {  	v36 =	vshll.u32 v3, $0x1  }
0x56: {  	v3 =	vand.u32 $0x7, v3;
	v4 =	vand.u32 $0xFFFFFFF0, v36  }
0x57: {  	v3 =	vor.u32 v3, v4  }
0x58: {  	v4 =	vperm.xlane v3, v0;
	_ =	sdelay $0x1  }
0x59: {  	v3 =	vperm.xlane v3, v2;
	v4 =	vadd.s32 v1, v4;
	_ =	sdelay $0x1  }
0x5a: {  	v3 =	vadd.s32 v1, v3;
	_ =	sdelay $0x2  }
0x5b: {  	[tilespmem:s15], [sflag:$0x1] =	stream.indirect_vreg.gather [hbm4b:s2+s3], $0x80, v4, vm0, $0xb8;
	[tilespmem:$0x18200] =	vst v63  }
0x5c: {  	_ = 	snop  }
0x5d: {  	[tilespmem:s16], [sflag:$0x1] =	stream.indirect_vreg.gather [hbm4b:s2+s3], $0x80, v3, vm0, $0xb8;
	[tilespmem:$0x18200] =	vst v63  }
0x5e: {  	v3 =	vld [tilespmem:$0x50];
	_ =	sdelay $0x4  }
0x5f: {  	v37 =	vshll.u32 v3, $0x1  }
0x60: {  	v3 =	vand.u32 $0x7, v3;
	v4 =	vand.u32 $0xFFFFFFF0, v37  }
0x61: {  	v3 =	vor.u32 v3, v4  }
0x62: {  	v4 =	vperm.xlane v3, v0;
	_ =	sdelay $0x1  }
0x63: {  	v3 =	vperm.xlane v3, v2;
	v4 =	vadd.s32 v1, v4;
	_ =	sdelay $0x1  }
0x64: {  	v3 =	vadd.s32 v1, v3;
	_ =	sdelay $0x2  }
0x65: {  	[tilespmem:s17], [sflag:$0x1] =	stream.indirect_vreg.gather [hbm4b:s2+s3], $0x80, v4, vm0, $0xb8;
	[tilespmem:$0x18200] =	vst v63  }
0x66: {  	_ = 	snop  }
0x67: {  	[tilespmem:s18], [sflag:$0x1] =	stream.indirect_vreg.gather [hbm4b:s2+s3], $0x80, v3, vm0, $0xb8;
	[tilespmem:$0x18200] =	vst v63  }
0x68: {  	v3 =	vld [tilespmem:$0x60];
	_ =	sdelay $0x4  }
0x69: {  	v38 =	vshll.u32 v3, $0x1  }
0x6a: {  	v3 =	vand.u32 $0x7, v3;
	v4 =	vand.u32 $0xFFFFFFF0, v38  }
0x6b: {  	v3 =	vor.u32 v3, v4  }
0x6c: {  	v4 =	vperm.xlane v3, v0;
	_ =	sdelay $0x1  }
0x6d: {  	v3 =	vperm.xlane v3, v2;
	v4 =	vadd.s32 v1, v4;
	_ =	sdelay $0x1  }
0x6e: {  	v3 =	vadd.s32 v1, v3;
	_ =	sdelay $0x2  }
0x6f: {  	[tilespmem:s19], [sflag:$0x1] =	stream.indirect_vreg.gather [hbm4b:s2+s3], $0x80, v4, vm0, $0xb8;
	[tilespmem:$0x18200] =	vst v63  }
0x70: {  	_ = 	snop  }
0x71: {  	[tilespmem:s20], [sflag:$0x1] =	stream.indirect_vreg.gather [hbm4b:s2+s3], $0x80, v3, vm0, $0xb8;
	[tilespmem:$0x18200] =	vst v63  }
0x72: {  	v3 =	vld [tilespmem:$0x70];
	_ =	sdelay $0x4  }
0x73: {  	v39 =	vshll.u32 v3, $0x1  }
0x74: {  	v3 =	vand.u32 $0x7, v3;
	v4 =	vand.u32 $0xFFFFFFF0, v39  }
0x75: {  	v3 =	vor.u32 v3, v4  }
0x76: {  	v4 =	vperm.xlane v3, v0;
	_ =	sdelay $0x1  }
0x77: {  	v3 =	vperm.xlane v3, v2;
	v4 =	vadd.s32 v1, v4;
	_ =	sdelay $0x1  }
0x78: {  	v3 =	vadd.s32 v1, v3;
	_ =	sdelay $0x2  }
0x79: {  	[tilespmem:s21], [sflag:$0x1] =	stream.indirect_vreg.gather [hbm4b:s2+s3], $0x80, v4, vm0, $0xb8;
	[tilespmem:$0x18200] =	vst v63  }
0x7a: {  	_ = 	snop  }
0x7b: {  	[tilespmem:s22], [sflag:$0x1] =	stream.indirect_vreg.gather [hbm4b:s2+s3], $0x80, v3, vm0, $0xb8;
	[tilespmem:$0x18200] =	vst v63  }
0x7c: {  	v3 =	vld [tilespmem:$0x80];
	_ =	sdelay $0x4  }
0x7d: {  	v40 =	vshll.u32 v3, $0x1  }
0x7e: {  	v3 =	vand.u32 $0x7, v3;
	v4 =	vand.u32 $0xFFFFFFF0, v40  }
0x7f: {  	v3 =	vor.u32 v3, v4  }
0x80: {  	v4 =	vperm.xlane v3, v0;
	_ =	sdelay $0x1  }
0x81: {  	v3 =	vperm.xlane v3, v2;
	v4 =	vadd.s32 v1, v4;
	_ =	sdelay $0x1  }
0x82: {  	v3 =	vadd.s32 v1, v3;
	_ =	sdelay $0x2  }
0x83: {  	[tilespmem:s23], [sflag:$0x2] =	stream.indirect_vreg.gather [hbm4b:s2+s3], $0x80, v4, vm0, $0xb8;
	[tilespmem:$0x18200] =	vst v63  }
0x84: {  	s25 =	rddreg [dreg:$0x8]  }
0x85: {  	[tilespmem:s25], [sflag:$0x2] =	stream.indirect_vreg.gather [hbm4b:s2+s3], $0x80, v3, vm0, $0xb8;
	[tilespmem:$0x18200] =	vst v63  }
0x86: {  	v3 =	vld [tilespmem:$0x90];
	_ =	sdelay $0x4  }
0x87: {  	v41 =	vshll.u32 v3, $0x1  }
0x88: {  	v3 =	vand.u32 $0x7, v3;
	v4 =	vand.u32 $0xFFFFFFF0, v41  }
0x89: {  	v3 =	vor.u32 v3, v4  }
0x8a: {  	v4 =	vperm.xlane v3, v0;
	_ =	sdelay $0x1  }
0x8b: {  	v3 =	vperm.xlane v3, v2;
	v4 =	vadd.s32 v1, v4;
	_ =	sdelay $0x1  }
0x8c: {  	v3 =	vadd.s32 v1, v3;
	_ =	sdelay $0x1  }
0x8d: {  	s0 =	rddreg [dreg:$0x9]  }
0x8e: {  	[tilespmem:s0], [sflag:$0x2] =	stream.indirect_vreg.gather [hbm4b:s2+s3], $0x80, v4, vm0, $0xb8;
	[tilespmem:$0x18200] =	vst v63  }
0x8f: {  	s25 =	rddreg [dreg:$0xa]  }
0x90: {  	[tilespmem:s25], [sflag:$0x2] =	stream.indirect_vreg.gather [hbm4b:s2+s3], $0x80, v3, vm0, $0xb8;
	[tilespmem:$0x18200] =	vst v63  }
0x91: {  	v3 =	vld [tilespmem:$0xA0];
	_ =	sdelay $0x4  }
0x92: {  	v42 =	vshll.u32 v3, $0x1  }
0x93: {  	v3 =	vand.u32 $0x7, v3;
	v4 =	vand.u32 $0xFFFFFFF0, v42  }
0x94: {  	v3 =	vor.u32 v3, v4  }
0x95: {  	v4 =	vperm.xlane v3, v0;
	_ =	sdelay $0x1  }
0x96: {  	v3 =	vperm.xlane v3, v2;
	v4 =	vadd.s32 v1, v4;
	_ =	sdelay $0x1  }
0x97: {  	v3 =	vadd.s32 v1, v3;
	_ =	sdelay $0x1  }
0x98: {  	s0 =	rddreg [dreg:$0xb]  }
0x99: {  	[tilespmem:s0], [sflag:$0x2] =	stream.indirect_vreg.gather [hbm4b:s2+s3], $0x80, v4, vm0, $0xb8;
	[tilespmem:$0x18200] =	vst v63  }
0x9a: {  	s25 =	rddreg [dreg:$0xc]  }
0x9b: {  	[tilespmem:s25], [sflag:$0x2] =	stream.indirect_vreg.gather [hbm4b:s2+s3], $0x80, v3, vm0, $0xb8;
	[tilespmem:$0x18200] =	vst v63  }
0x9c: {  	v3 =	vld [tilespmem:$0xB0];
	_ =	sdelay $0x4  }
0x9d: {  	v43 =	vshll.u32 v3, $0x1  }
0x9e: {  	v3 =	vand.u32 $0x7, v3;
	v4 =	vand.u32 $0xFFFFFFF0, v43  }
0x9f: {  	v3 =	vor.u32 v3, v4  }
0xa0: {  	v4 =	vperm.xlane v3, v0;
	_ =	sdelay $0x1  }
0xa1: {  	v3 =	vperm.xlane v3, v2;
	v4 =	vadd.s32 v1, v4;
	_ =	sdelay $0x1  }
0xa2: {  	v3 =	vadd.s32 v1, v3;
	_ =	sdelay $0x1  }
0xa3: {  	s0 =	rddreg [dreg:$0xd]  }
0xa4: {  	[tilespmem:s0], [sflag:$0x2] =	stream.indirect_vreg.gather [hbm4b:s2+s3], $0x80, v4, vm0, $0xb8;
	[tilespmem:$0x18200] =	vst v63  }
0xa5: {  	s25 =	rddreg [dreg:$0xe]  }
0xa6: {  	[tilespmem:s25], [sflag:$0x2] =	stream.indirect_vreg.gather [hbm4b:s2+s3], $0x80, v3, vm0, $0xb8;
	[tilespmem:$0x18200] =	vst v63  }
0xa7: {  	v3 =	vld [tilespmem:$0xC0];
	_ =	sdelay $0x4  }
0xa8: {  	v44 =	vshll.u32 v3, $0x1  }
0xa9: {  	v3 =	vand.u32 $0x7, v3;
	v4 =	vand.u32 $0xFFFFFFF0, v44  }
0xaa: {  	v3 =	vor.u32 v3, v4  }
0xab: {  	v4 =	vperm.xlane v3, v0;
	_ =	sdelay $0x1  }
0xac: {  	v3 =	vperm.xlane v3, v2;
	v4 =	vadd.s32 v1, v4;
	_ =	sdelay $0x1  }
0xad: {  	v3 =	vadd.s32 v1, v3;
	_ =	sdelay $0x1  }
0xae: {  	s0 =	rddreg [dreg:$0xf]  }
0xaf: {  	[tilespmem:s0], [sflag:$0x2] =	stream.indirect_vreg.gather [hbm4b:s2+s3], $0x80, v4, vm0, $0xb8;
	[tilespmem:$0x18200] =	vst v63  }
0xb0: {  	s25 =	rddreg [dreg:$0x10]  }
0xb1: {  	[tilespmem:s25], [sflag:$0x2] =	stream.indirect_vreg.gather [hbm4b:s2+s3], $0x80, v3, vm0, $0xb8;
	[tilespmem:$0x18200] =	vst v63  }
0xb2: {  	v3 =	vld [tilespmem:$0xD0];
	_ =	sdelay $0x4  }
0xb3: {  	v45 =	vshll.u32 v3, $0x1  }
0xb4: {  	v3 =	vand.u32 $0x7, v3;
	v4 =	vand.u32 $0xFFFFFFF0, v45  }
0xb5: {  	v3 =	vor.u32 v3, v4  }
0xb6: {  	v4 =	vperm.xlane v3, v0;
	_ =	sdelay $0x1  }
0xb7: {  	v3 =	vperm.xlane v3, v2;
	v4 =	vadd.s32 v1, v4;
	_ =	sdelay $0x1  }
0xb8: {  	v3 =	vadd.s32 v1, v3;
	_ =	sdelay $0x1  }
0xb9: {  	s0 =	rddreg [dreg:$0x11]  }
0xba: {  	[tilespmem:s0], [sflag:$0x2] =	stream.indirect_vreg.gather [hbm4b:s2+s3], $0x80, v4, vm0, $0xb8;
	[tilespmem:$0x18200] =	vst v63  }
0xbb: {  	s25 =	rddreg [dreg:$0x12]  }
0xbc: {  	[tilespmem:s25], [sflag:$0x2] =	stream.indirect_vreg.gather [hbm4b:s2+s3], $0x80, v3, vm0, $0xb8;
	[tilespmem:$0x18200] =	vst v63  }
0xbd: {  	v3 =	vld [tilespmem:$0xE0];
	_ =	sdelay $0x4  }
0xbe: {  	v46 =	vshll.u32 v3, $0x1  }
0xbf: {  	v3 =	vand.u32 $0x7, v3;
	v4 =	vand.u32 $0xFFFFFFF0, v46  }
0xc0: {  	v3 =	vor.u32 v3, v4  }
0xc1: {  	v4 =	vperm.xlane v3, v0;
	_ =	sdelay $0x1  }
0xc2: {  	v3 =	vperm.xlane v3, v2;
	v4 =	vadd.s32 v1, v4;
	_ =	sdelay $0x1  }
0xc3: {  	v3 =	vadd.s32 v1, v3;
	_ =	sdelay $0x1  }
0xc4: {  	s0 =	rddreg [dreg:$0x13]  }
0xc5: {  	[tilespmem:s0], [sflag:$0x2] =	stream.indirect_vreg.gather [hbm4b:s2+s3], $0x80, v4, vm0, $0xb8;
	[tilespmem:$0x18200] =	vst v63  }
0xc6: {  	s25 =	rddreg [dreg:$0x14]  }
0xc7: {  	[tilespmem:s25], [sflag:$0x2] =	stream.indirect_vreg.gather [hbm4b:s2+s3], $0x80, v3, vm0, $0xb8;
	[tilespmem:$0x18200] =	vst v63  }
0xc8: {  	v3 =	vld [tilespmem:$0xF0];
	_ =	sdelay $0x4  }
0xc9: {  	v47 =	vshll.u32 v3, $0x1  }
0xca: {  	v3 =	vand.u32 $0x7, v3;
	v4 =	vand.u32 $0xFFFFFFF0, v47  }
0xcb: {  	v3 =	vor.u32 v3, v4  }
0xcc: {  	v4 =	vperm.xlane v3, v0;
	_ =	sdelay $0x1  }
0xcd: {  	v3 =	vperm.xlane v3, v2;
	v4 =	vadd.s32 v1, v4;
	_ =	sdelay $0x1  }
0xce: {  	v3 =	vadd.s32 v1, v3;
	_ =	sdelay $0x1  }
0xcf: {  	s0 =	rddreg [dreg:$0x15]  }
0xd0: {  	[tilespmem:s0], [sflag:$0x2] =	stream.indirect_vreg.gather [hbm4b:s2+s3], $0x80, v4, vm0, $0xb8;
	[tilespmem:$0x18200] =	vst v63  }
0xd1: {  	s25 =	rddreg [dreg:$0x16]  }
0xd2: {  	[tilespmem:s25], [sflag:$0x2] =	stream.indirect_vreg.gather [hbm4b:s2+s3], $0x80, v3, vm0, $0xb8;
	[tilespmem:$0x18200] =	vst v63  }
0xd3: {  	v3 =	vld [tilespmem:$0x100];
	_ =	sdelay $0x4  }
0xd4: {  	v48 =	vshll.u32 v3, $0x1  }
0xd5: {  	v3 =	vand.u32 $0x7, v3;
	v4 =	vand.u32 $0xFFFFFFF0, v48  }
0xd6: {  	v3 =	vor.u32 v3, v4  }
0xd7: {  	v4 =	vperm.xlane v3, v0;
	_ =	sdelay $0x1  }
0xd8: {  	v3 =	vperm.xlane v3, v2;
	v4 =	vadd.s32 v1, v4;
	_ =	sdelay $0x1  }
0xd9: {  	v3 =	vadd.s32 v1, v3;
	_ =	sdelay $0x2  }
0xda: {  	[tilespmem:s24], [sflag:$0x3] =	stream.indirect_vreg.gather [hbm4b:s2+s3], $0x80, v4, vm0, $0xb8;
	[tilespmem:$0x18200] =	vst v63  }
0xdb: {  	s25 =	rddreg [dreg:$0x17]  }
0xdc: {  	[tilespmem:s25], [sflag:$0x3] =	stream.indirect_vreg.gather [hbm4b:s2+s3], $0x80, v3, vm0, $0xb8;
	[tilespmem:$0x18200] =	vst v63  }
0xdd: {  	v3 =	vld [tilespmem:$0x110];
	_ =	sdelay $0x4  }
0xde: {  	v49 =	vshll.u32 v3, $0x1  }
0xdf: {  	v3 =	vand.u32 $0x7, v3;
	v4 =	vand.u32 $0xFFFFFFF0, v49  }
0xe0: {  	v3 =	vor.u32 v3, v4  }
0xe1: {  	v4 =	vperm.xlane v3, v0;
	_ =	sdelay $0x1  }
0xe2: {  	v3 =	vperm.xlane v3, v2;
	v4 =	vadd.s32 v1, v4;
	_ =	sdelay $0x1  }
0xe3: {  	v3 =	vadd.s32 v1, v3;
	_ =	sdelay $0x1  }
0xe4: {  	s0 =	rddreg [dreg:$0x18]  }
0xe5: {  	[tilespmem:s0], [sflag:$0x3] =	stream.indirect_vreg.gather [hbm4b:s2+s3], $0x80, v4, vm0, $0xb8;
	[tilespmem:$0x18200] =	vst v63  }
0xe6: {  	s25 =	rddreg [dreg:$0x19]  }
0xe7: {  	[tilespmem:s25], [sflag:$0x3] =	stream.indirect_vreg.gather [hbm4b:s2+s3], $0x80, v3, vm0, $0xb8;
	[tilespmem:$0x18200] =	vst v63  }
0xe8: {  	v3 =	vld [tilespmem:$0x120];
	_ =	sdelay $0x4  }
0xe9: {  	v50 =	vshll.u32 v3, $0x1  }
0xea: {  	v3 =	vand.u32 $0x7, v3;
	v4 =	vand.u32 $0xFFFFFFF0, v50  }
0xeb: {  	v3 =	vor.u32 v3, v4  }
0xec: {  	v4 =	vperm.xlane v3, v0;
	_ =	sdelay $0x1  }
0xed: {  	v3 =	vperm.xlane v3, v2;
	v4 =	vadd.s32 v1, v4;
	_ =	sdelay $0x1  }
0xee: {  	v3 =	vadd.s32 v1, v3;
	_ =	sdelay $0x1  }
0xef: {  	s0 =	rddreg [dreg:$0x1a]  }
0xf0: {  	[tilespmem:s0], [sflag:$0x3] =	stream.indirect_vreg.gather [hbm4b:s2+s3], $0x80, v4, vm0, $0xb8;
	[tilespmem:$0x18200] =	vst v63  }
0xf1: {  	s25 =	rddreg [dreg:$0x1b]  }
0xf2: {  	[tilespmem:s25], [sflag:$0x3] =	stream.indirect_vreg.gather [hbm4b:s2+s3], $0x80, v3, vm0, $0xb8;
	[tilespmem:$0x18200] =	vst v63  }
0xf3: {  	v3 =	vld [tilespmem:$0x130];
	_ =	sdelay $0x4  }
0xf4: {  	v51 =	vshll.u32 v3, $0x1  }
0xf5: {  	v3 =	vand.u32 $0x7, v3;
	v4 =	vand.u32 $0xFFFFFFF0, v51  }
0xf6: {  	v3 =	vor.u32 v3, v4  }
0xf7: {  	v4 =	vperm.xlane v3, v0;
	_ =	sdelay $0x1  }
0xf8: {  	v3 =	vperm.xlane v3, v2;
	v4 =	vadd.s32 v1, v4;
	_ =	sdelay $0x1  }
0xf9: {  	v3 =	vadd.s32 v1, v3;
	_ =	sdelay $0x1  }
0xfa: {  	s0 =	rddreg [dreg:$0x1c]  }
0xfb: {  	[tilespmem:s0], [sflag:$0x3] =	stream.indirect_vreg.gather [hbm4b:s2+s3], $0x80, v4, vm0, $0xb8;
	[tilespmem:$0x18200] =	vst v63  }
0xfc: {  	s25 =	rddreg [dreg:$0x1d]  }
0xfd: {  	[tilespmem:s25], [sflag:$0x3] =	stream.indirect_vreg.gather [hbm4b:s2+s3], $0x80, v3, vm0, $0xb8;
	[tilespmem:$0x18200] =	vst v63  }
0xfe: {  	v3 =	vld [tilespmem:$0x140];
	_ =	sdelay $0x4  }
0xff: {  	v52 =	vshll.u32 v3, $0x1  }
0x100: {  	v3 =	vand.u32 $0x7, v3;
	v4 =	vand.u32 $0xFFFFFFF0, v52  }
0x101: {  	v3 =	vor.u32 v3, v4  }
0x102: {  	v4 =	vperm.xlane v3, v0;
	_ =	sdelay $0x1  }
0x103: {  	v3 =	vperm.xlane v3, v2;
	v4 =	vadd.s32 v1, v4;
	_ =	sdelay $0x1  }
0x104: {  	v3 =	vadd.s32 v1, v3;
	_ =	sdelay $0x1  }
0x105: {  	s0 =	rddreg [dreg:$0x1e]  }
0x106: {  	[tilespmem:s0], [sflag:$0x3] =	stream.indirect_vreg.gather [hbm4b:s2+s3], $0x80, v4, vm0, $0xb8;
	[tilespmem:$0x18200] =	vst v63  }
0x107: {  	s25 =	rddreg [dreg:$0x1f]  }
0x108: {  	[tilespmem:s25], [sflag:$0x3] =	stream.indirect_vreg.gather [hbm4b:s2+s3], $0x80, v3, vm0, $0xb8;
	[tilespmem:$0x18200] =	vst v63  }
0x109: {  	v3 =	vld [tilespmem:$0x150];
	_ =	sdelay $0x4  }
0x10a: {  	v53 =	vshll.u32 v3, $0x1  }
0x10b: {  	v3 =	vand.u32 $0x7, v3;
	v4 =	vand.u32 $0xFFFFFFF0, v53  }
0x10c: {  	v3 =	vor.u32 v3, v4  }
0x10d: {  	v4 =	vperm.xlane v3, v0;
	_ =	sdelay $0x1  }
0x10e: {  	v3 =	vperm.xlane v3, v2;
	v4 =	vadd.s32 v1, v4;
	_ =	sdelay $0x1  }
0x10f: {  	s0 =	sld [smem:$0x7F9];
	v3 =	vadd.s32 v1, v3;
	_ =	sdelay $0x1  }
0x110: {  	s25 =	sld [smem:$0x7FA]  }
0x111: {  	[tilespmem:s0], [sflag:$0x3] =	stream.indirect_vreg.gather [hbm4b:s2+s3], $0x80, v4, vm0, $0xb8;
	[tilespmem:$0x18200] =	vst v63  }
0x112: {  	_ = 	snop  }
0x113: {  	[tilespmem:s25], [sflag:$0x3] =	stream.indirect_vreg.gather [hbm4b:s2+s3], $0x80, v3, vm0, $0xb8;
	[tilespmem:$0x18200] =	vst v63  }
0x114: {  	v3 =	vld [tilespmem:$0x160];
	_ =	sdelay $0x4  }
0x115: {  	v54 =	vshll.u32 v3, $0x1  }
0x116: {  	v3 =	vand.u32 $0x7, v3;
	v4 =	vand.u32 $0xFFFFFFF0, v54  }
0x117: {  	v3 =	vor.u32 v3, v4  }
0x118: {  	v4 =	vperm.xlane v3, v0;
	_ =	sdelay $0x1  }
0x119: {  	v3 =	vperm.xlane v3, v2;
	v4 =	vadd.s32 v1, v4;
	_ =	sdelay $0x1  }
0x11a: {  	s0 =	sld [smem:$0x7FB];
	v3 =	vadd.s32 v1, v3;
	_ =	sdelay $0x1  }
0x11b: {  	s25 =	sld [smem:$0x7FC]  }
0x11c: {  	[tilespmem:s0], [sflag:$0x3] =	stream.indirect_vreg.gather [hbm4b:s2+s3], $0x80, v4, vm0, $0xb8;
	[tilespmem:$0x18200] =	vst v63  }
0x11d: {  	_ = 	snop  }
0x11e: {  	[tilespmem:s25], [sflag:$0x3] =	stream.indirect_vreg.gather [hbm4b:s2+s3], $0x80, v3, vm0, $0xb8;
	[tilespmem:$0x18200] =	vst v63  }
0x11f: {  	v3 =	vld [tilespmem:$0x170];
	_ =	sdelay $0x4  }
0x120: {  	v55 =	vshll.u32 v3, $0x1  }
0x121: {  	v3 =	vand.u32 $0x7, v3;
	v4 =	vand.u32 $0xFFFFFFF0, v55  }
0x122: {  	v3 =	vor.u32 v3, v4  }
0x123: {  	v4 =	vperm.xlane v3, v0;
	_ =	sdelay $0x1  }
0x124: {  	v3 =	vperm.xlane v3, v2;
	v4 =	vadd.s32 v1, v4;
	_ =	sdelay $0x1  }
0x125: {  	s25 =	sld [smem:$0x7FD];
	v3 =	vadd.s32 v1, v3;
	_ =	sdelay $0x2  }
0x126: {  	[tilespmem:s25], [sflag:$0x3] =	stream.indirect_vreg.gather [hbm4b:s2+s3], $0x80, v4, vm0, $0xb8;
	[tilespmem:$0x18200] =	vst v63  }
0x127: {  	s25 =	simm.s32 $0x17A00  }
0x128: {  	[tilespmem:s25], [sflag:$0x3] =	stream.indirect_vreg.gather [hbm4b:s2+s3], $0x80, v3, vm0, $0xb8;
	[tilespmem:$0x18200] =	vst v63  }
0x129: {  	_ =	swait.ge [sflag:s26], $0x8000  }
0x12a: {  	[sflag:s26] =	ssyncset.done $0x0  }
0x12b: {  	[sflag:s26] =	ssyncadd.s32 $0xFFFF8000  }
0x12c: {  	[hbm4b:s4+s3] =	stream.linear.scatter [tilespmem:s7], [sflag:$0x4], $0x8000, $0x38;
	[tilespmem:$0x18200] =	vst v63  }
0x12d: {  	_ =	swait.ge [sflag:s28], $0x8000  }
0x12e: {  	[sflag:s28] =	ssyncset.done $0x0  }
0x12f: {  	[sflag:s28] =	ssyncadd.s32 $0xFFFF8000  }
0x130: {  	v3 =	vld [tilespmem:$0x180];
	_ =	sdelay $0x4  }
0x131: {  	v56 =	vshll.u32 v3, $0x1  }
0x132: {  	v3 =	vand.u32 $0x7, v3;
	v4 =	vand.u32 $0xFFFFFFF0, v56  }
0x133: {  	v3 =	vor.u32 v3, v4  }
0x134: {  	v4 =	vperm.xlane v3, v0;
	_ =	sdelay $0x1  }
0x135: {  	v3 =	vperm.xlane v3, v2;
	v4 =	vadd.s32 v1, v4;
	_ =	sdelay $0x1  }
0x136: {  	v3 =	vadd.s32 v1, v3;
	_ =	sdelay $0x2  }
0x137: {  	[tilespmem:s7], [sflag:$0x1] =	stream.indirect_vreg.gather [hbm4b:s2+s3], $0x80, v4, vm0, $0xb8;
	[tilespmem:$0x18200] =	vst v63  }
0x138: {  	_ = 	snop  }
0x139: {  	[tilespmem:s8], [sflag:$0x1] =	stream.indirect_vreg.gather [hbm4b:s2+s3], $0x80, v3, vm0, $0xb8;
	[tilespmem:$0x18200] =	vst v63  }
0x13a: {  	v3 =	vld [tilespmem:$0x190];
	_ =	sdelay $0x4  }
0x13b: {  	v57 =	vshll.u32 v3, $0x1  }
0x13c: {  	v3 =	vand.u32 $0x7, v3;
	v4 =	vand.u32 $0xFFFFFFF0, v57  }
0x13d: {  	v3 =	vor.u32 v3, v4  }
0x13e: {  	v4 =	vperm.xlane v3, v0;
	_ =	sdelay $0x1  }
0x13f: {  	v3 =	vperm.xlane v3, v2;
	v4 =	vadd.s32 v1, v4;
	_ =	sdelay $0x1  }
0x140: {  	v3 =	vadd.s32 v1, v3;
	_ =	sdelay $0x2  }
0x141: {  	[tilespmem:s9], [sflag:$0x1] =	stream.indirect_vreg.gather [hbm4b:s2+s3], $0x80, v4, vm0, $0xb8;
	[tilespmem:$0x18200] =	vst v63  }
0x142: {  	_ = 	snop  }
0x143: {  	[tilespmem:s10], [sflag:$0x1] =	stream.indirect_vreg.gather [hbm4b:s2+s3], $0x80, v3, vm0, $0xb8;
	[tilespmem:$0x18200] =	vst v63  }
0x144: {  	v3 =	vld [tilespmem:$0x1A0];
	_ =	sdelay $0x4  }
0x145: {  	v58 =	vshll.u32 v3, $0x1  }
0x146: {  	v3 =	vand.u32 $0x7, v3;
	v4 =	vand.u32 $0xFFFFFFF0, v58  }
0x147: {  	v3 =	vor.u32 v3, v4  }
0x148: {  	v4 =	vperm.xlane v3, v0;
	_ =	sdelay $0x1  }
0x149: {  	v3 =	vperm.xlane v3, v2;
	v4 =	vadd.s32 v1, v4;
	_ =	sdelay $0x1  }
0x14a: {  	v3 =	vadd.s32 v1, v3;
	_ =	sdelay $0x2  }
0x14b: {  	[tilespmem:s11], [sflag:$0x1] =	stream.indirect_vreg.gather [hbm4b:s2+s3], $0x80, v4, vm0, $0xb8;
	[tilespmem:$0x18200] =	vst v63  }
0x14c: {  	_ = 	snop  }
0x14d: {  	[tilespmem:s12], [sflag:$0x1] =	stream.indirect_vreg.gather [hbm4b:s2+s3], $0x80, v3, vm0, $0xb8;
	[tilespmem:$0x18200] =	vst v63  }
0x14e: {  	v3 =	vld [tilespmem:$0x1B0];
	_ =	sdelay $0x4  }
0x14f: {  	v59 =	vshll.u32 v3, $0x1  }
0x150: {  	v3 =	vand.u32 $0x7, v3;
	v4 =	vand.u32 $0xFFFFFFF0, v59  }
0x151: {  	v3 =	vor.u32 v3, v4  }
0x152: {  	v4 =	vperm.xlane v3, v0;
	_ =	sdelay $0x1  }
0x153: {  	v3 =	vperm.xlane v3, v2;
	v4 =	vadd.s32 v1, v4;
	_ =	sdelay $0x1  }
0x154: {  	v3 =	vadd.s32 v1, v3;
	_ =	sdelay $0x2  }
0x155: {  	[tilespmem:s13], [sflag:$0x1] =	stream.indirect_vreg.gather [hbm4b:s2+s3], $0x80, v4, vm0, $0xb8;
	[tilespmem:$0x18200] =	vst v63  }
0x156: {  	_ = 	snop  }
0x157: {  	[tilespmem:s14], [sflag:$0x1] =	stream.indirect_vreg.gather [hbm4b:s2+s3], $0x80, v3, vm0, $0xb8;
	[tilespmem:$0x18200] =	vst v63  }
0x158: {  	v3 =	vld [tilespmem:$0x1C0];
	_ =	sdelay $0x4  }
0x159: {  	v60 =	vshll.u32 v3, $0x1  }
0x15a: {  	v3 =	vand.u32 $0x7, v3;
	v4 =	vand.u32 $0xFFFFFFF0, v60  }
0x15b: {  	v3 =	vor.u32 v3, v4  }
0x15c: {  	v4 =	vperm.xlane v3, v0;
	_ =	sdelay $0x1  }
0x15d: {  	v3 =	vperm.xlane v3, v2;
	v4 =	vadd.s32 v1, v4;
	_ =	sdelay $0x1  }
0x15e: {  	v3 =	vadd.s32 v1, v3;
	_ =	sdelay $0x2  }
0x15f: {  	[tilespmem:s15], [sflag:$0x1] =	stream.indirect_vreg.gather [hbm4b:s2+s3], $0x80, v4, vm0, $0xb8;
	[tilespmem:$0x18200] =	vst v63  }
0x160: {  	_ = 	snop  }
0x161: {  	[tilespmem:s16], [sflag:$0x1] =	stream.indirect_vreg.gather [hbm4b:s2+s3], $0x80, v3, vm0, $0xb8;
	[tilespmem:$0x18200] =	vst v63  }
0x162: {  	v3 =	vld [tilespmem:$0x1D0];
	_ =	sdelay $0x4  }
0x163: {  	v61 =	vshll.u32 v3, $0x1  }
0x164: {  	v3 =	vand.u32 $0x7, v3;
	v4 =	vand.u32 $0xFFFFFFF0, v61  }
0x165: {  	v3 =	vor.u32 v3, v4  }
0x166: {  	v4 =	vperm.xlane v3, v0;
	_ =	sdelay $0x1  }
0x167: {  	v3 =	vperm.xlane v3, v2;
	v4 =	vadd.s32 v1, v4;
	_ =	sdelay $0x1  }
0x168: {  	v3 =	vadd.s32 v1, v3;
	_ =	sdelay $0x2  }
0x169: {  	[tilespmem:s17], [sflag:$0x1] =	stream.indirect_vreg.gather [hbm4b:s2+s3], $0x80, v4, vm0, $0xb8;
	[tilespmem:$0x18200] =	vst v63  }
0x16a: {  	_ = 	snop  }
0x16b: {  	[tilespmem:s18], [sflag:$0x1] =	stream.indirect_vreg.gather [hbm4b:s2+s3], $0x80, v3, vm0, $0xb8;
	[tilespmem:$0x18200] =	vst v63  }
0x16c: {  	v3 =	vld [tilespmem:$0x1E0];
	_ =	sdelay $0x4  }
0x16d: {  	v62 =	vshll.u32 v3, $0x1  }
0x16e: {  	v3 =	vand.u32 $0x7, v3;
	v4 =	vand.u32 $0xFFFFFFF0, v62  }
0x16f: {  	v3 =	vor.u32 v3, v4  }
0x170: {  	v4 =	vperm.xlane v3, v0;
	_ =	sdelay $0x1  }
0x171: {  	v3 =	vperm.xlane v3, v2;
	v4 =	vadd.s32 v1, v4;
	_ =	sdelay $0x1  }
0x172: {  	v3 =	vadd.s32 v1, v3;
	_ =	sdelay $0x2  }
0x173: {  	[tilespmem:s19], [sflag:$0x1] =	stream.indirect_vreg.gather [hbm4b:s2+s3], $0x80, v4, vm0, $0xb8;
	[tilespmem:$0x18200] =	vst v63  }
0x174: {  	_ = 	snop  }
0x175: {  	[tilespmem:s20], [sflag:$0x1] =	stream.indirect_vreg.gather [hbm4b:s2+s3], $0x80, v3, vm0, $0xb8;
	[tilespmem:$0x18200] =	vst v63  }
0x176: {  	v3 =	vld [tilespmem:$0x1F0];
	_ =	sdelay $0x4  }
0x177: {  	v63 =	vshll.u32 v3, $0x1  }
0x178: {  	v3 =	vand.u32 $0x7, v3;
	v4 =	vand.u32 $0xFFFFFFF0, v63  }
0x179: {  	v3 =	vor.u32 v3, v4  }
0x17a: {  	v4 =	vperm.xlane v3, v0;
	_ =	sdelay $0x1  }
0x17b: {  	v3 =	vperm.xlane v3, v2;
	v4 =	vadd.s32 v1, v4;
	_ =	sdelay $0x1  }
0x17c: {  	v3 =	vadd.s32 v1, v3;
	_ =	sdelay $0x2  }
0x17d: {  	[tilespmem:s21], [sflag:$0x1] =	stream.indirect_vreg.gather [hbm4b:s2+s3], $0x80, v4, vm0, $0xb8;
	[tilespmem:$0x18200] =	vst v63  }
0x17e: {  	_ = 	snop  }
0x17f: {  	[tilespmem:s22], [sflag:$0x1] =	stream.indirect_vreg.gather [hbm4b:s2+s3], $0x80, v3, vm0, $0xb8;
	[tilespmem:$0x18200] =	vst v63  }
0x180: {  	_ =	swait.ge [sflag:s29], $0x8000  }
0x181: {  	[sflag:s29] =	ssyncset.done $0x0  }
0x182: {  	s25 =	rddreg [dreg:$0x5];
	[sflag:s29] =	ssyncadd.s32 $0xFFFF8000  }
0x183: {  	[hbm4b:s25+s3] =	stream.linear.scatter [tilespmem:s23], [sflag:$0x5], $0x8000, $0x38;
	[tilespmem:$0x18200] =	vst v63  }
0x184: {  	_ =	swait.ge [sflag:s30], $0x8000  }
0x185: {  	[sflag:s30] =	ssyncset.done $0x0  }
0x186: {  	s25 =	rddreg [dreg:$0x6];
	[sflag:s30] =	ssyncadd.s32 $0xFFFF8000  }
0x187: {  	[hbm4b:s25+s3] =	stream.linear.scatter [tilespmem:s24], [sflag:$0x6], $0x8000, $0x38;
	[tilespmem:$0x18200] =	vst v63  }
0x188: {  	_ =	swait.ge [sflag:s26], $0x8000  }
0x189: {  	[sflag:s26] =	ssyncset.done $0x0  }
0x18a: {  	s25 =	rddreg [dreg:$0x7];
	[sflag:s26] =	ssyncadd.s32 $0xFFFF8000  }
0x18b: {  	[hbm4b:s25+s3] =	stream.linear.scatter [tilespmem:s7], [sflag:$0x4], $0x8000, $0x38;
	[tilespmem:$0x18200] =	vst v63  }
0x18c: {  	_ =	swait.ge [sflag:s28], $0x8000  }
0x18d: {  	[sflag:s28] =	ssyncset.done $0x0  }
0x18e: {  	[sflag:s28] =	ssyncadd.s32 $0xFFFF8000  }
0x18f: {  	p0 =	sne.s32 s5, $0x1;
	_ =	swait.ge [sflag:s31], $0x8000  }
.Ltmp0:
0x190: {  	[sflag:s31] =	ssyncset.done $0x0;
	(pc) =	sbr.rel @p0 .LBB2_1-.Ltmp0, $4  }
0x191: {  	[sflag:s31] =	ssyncadd.s32 $0xFFFF8000  }
0x192: {  	_ =	swait.ge [sflag:s1], $0x8000  }
0x193: {  	[sflag:s1] =	ssyncset.done $0x0  }
0x194: {  	s5 =	sadd.s32 $0xFFFFFFFF, s5;
	[sflag:s1] =	ssyncadd.s32 $0xFFFF8000  }
0x195: {  	_ =	sfence.sel $0x180000  }
0x196: {  	[bflag:$0x0] =	sbarrier.arrive $0xFFFF  }
0x197: {  	_ =	strace $0x90000047  }
0x198: {  	s0 =	stileid.u32;
	[bflag:$0x2] =	sbarrier.arrive $0xFFFF  }
0x199: {  	p0 =	sne.s32 s0, $0x0;
	s0 =	rddreg [dreg:$0x3]  }
0x19a: {  	s0 =	sadd.s32 @!p0 $0x100000, s0  }
0x19b: {  	[sflag:s0] =	ssyncadd.tile.s32 @!p0 $0x1;
	_ =	shalt  }
.Lfunc_end2:
_tile_overlayer_lowered:
.L_overlay_start_2:
0x19c: {  	(tag) =	ssettag $0x2  }
0x19d: {  	s0 =	rddreg [dreg:$0x0];
	s2 =	stileid.u32  }
0x19e: {  	s1 =	rddreg [dreg:$0x1];
	p0 =	sne.s32 s2, $0x0  }
0x19f: {  	s3 =	rddreg [dreg:$0x2];
	[bflag:$0x3] =	sbarrier.arrive $0xFFFF;
	s2 =	simm.s32 @!p0 $0x1C07  }
0x1a0: {  	[timem:s3], [sflag:s2] =	dma.local @!p0 [hbm:s0], s1  }
0x1a1: {  	s0 =	simm.s32 @!p0 $0x7  }
0x1a2: {  	_ =	swait.ge @!p0 [sflag:s0], s1  }
0x1a3: {  	s1 =	ssub.s32 @!p0 $0x0, s1;
	[sflag:s0] =	ssyncset.done @!p0 $0x0  }
0x1a4: {  	[sflag:s0] =	ssyncadd.s32 @!p0 s1  }
0x1a5: {  	[bflag:$0x3] =	sbarrier.arrive $0xFFFF  }
0x1a6: {  	_ =	shalt  }

</sc_bundles>
